<compile_context>
chip_gen: v7x
topology: tpu7x:2x2x1
jax: 0.10.2.dev20260603
libtpu: 0.0.44.dev20260713+nightly
codegen_flags: <defaults>
</compile_context>

<pallas_src>
import functools

import jax
import jax.numpy as jnp
from jax import lax
from jax.experimental import pallas as pl
from jax.experimental.pallas import tpu as pltpu
from jax.experimental.pallas import tpu_sc as plsc

NC = 2
NS = 16
NW = NC * NS
CHUNK = 128
TCOLS = 2048


def _tc_transpose(t_T):
    d, v = t_T.shape
    steps = -(-v // TCOLS)
    h = TCOLS // 2

    def body(x_ref, o_ref):
        x = x_ref[...]
        parts = []
        for j in range(TCOLS // 256):
            sq = jnp.concatenate(
                [x[:, j * 256:j * 256 + 128], x[:, j * 256 + 128:(j + 1) * 256]],
                axis=0)
            parts.append(sq.T)
        o_ref[...] = jnp.concatenate(parts, axis=0)

    return pl.pallas_call(
        body,
        grid=(steps,),
        in_specs=[pl.BlockSpec((d, TCOLS), lambda j: (0, j))],
        out_specs=pl.BlockSpec((TCOLS // 2, 2 * d), lambda j: (j, 0)),
        out_shape=jax.ShapeDtypeStruct((steps * h, 2 * d), jnp.float32),
        compiler_params=pltpu.CompilerParams(
            dimension_semantics=("arbitrary",)),
    )(t_T)


def _sc_gather(table_lin, idx2, n, d):
    chunks_per_w = (n // CHUNK) // NW
    mesh = plsc.VectorSubcoreMesh(core_axis_name="c", subcore_axis_name="s")

    @functools.partial(
        pl.kernel,
        mesh=mesh,
        compiler_params=pltpu.CompilerParams(use_tc_tiling_on_sc=False),
        out_type=jax.ShapeDtypeStruct((n, d), jnp.float32),
        scratch_types=[
            pltpu.VMEM((chunks_per_w, CHUNK), jnp.int32),
            pltpu.VMEM((CHUNK, d), jnp.float32),
            pltpu.VMEM((CHUNK, d), jnp.float32),
            pltpu.SemaphoreType.DMA,
            pltpu.SemaphoreType.DMA,
        ],
    )
    def k(tab_hbm, idx_hbm, out_hbm, idx_v, rows_a, rows_b, sem_a, sem_b):
        wid = lax.axis_index("s") * NC + lax.axis_index("c")
        pltpu.sync_copy(idx_hbm.at[pl.ds(wid * chunks_per_w, chunks_per_w)], idx_v)

        @pl.loop(0, chunks_per_w, step=2)
        def _(j):
            pltpu.async_copy(tab_hbm.at[idx_v.at[j]], rows_a, sem_a).wait()
            cp_a = pltpu.make_async_copy(
                rows_a, out_hbm.at[pl.ds((wid * chunks_per_w + j) * CHUNK, CHUNK)], sem_a)
            cp_a.start()
            pltpu.async_copy(tab_hbm.at[idx_v.at[j + 1]], rows_b, sem_b).wait()
            cp_b = pltpu.make_async_copy(
                rows_b, out_hbm.at[pl.ds((wid * chunks_per_w + j + 1) * CHUNK, CHUNK)], sem_b)
            cp_b.start()
            cp_a.wait()
            cp_b.wait()

    return k(table_lin, idx2)


def _tc_loss(es2, v2, b, n_neg, d, blk):
    steps = (b // 2) // blk

    def body(s_ref, v_ref, o_ref):
        es = s_ref[...]
        sel = (jax.lax.broadcasted_iota(jnp.int32, (2 * d, 8), 0) // d
               == jax.lax.broadcasted_iota(jnp.int32, (2 * d, 8), 1)
               ).astype(jnp.bfloat16)
        total = jnp.float32(0.0)
        for n in range(1 + n_neg):
            prod = (es * v_ref[n]).astype(jnp.bfloat16)
            dots = jax.lax.dot_general(
                prod, sel, (((1,), (0,)), ((), ())),
                preferred_element_type=jnp.float32)
            s2 = dots[:, :2]
            if n == 0:
                total += jnp.sum(jax.nn.log_sigmoid(s2))
            else:
                total += jnp.sum(jax.nn.log_sigmoid(-s2))

        o_ref[0, 0, 0] = total

    return pl.pallas_call(
        body,
        grid=(steps,),
        in_specs=[
            pl.BlockSpec((blk, 2 * d), lambda i: (i, 0)),
            pl.BlockSpec((1 + n_neg, blk, 2 * d), lambda i: (0, i, 0)),
        ],
        out_specs=pl.BlockSpec((1, 1, 1), lambda i: (i, 0, 0),
                               memory_space=pltpu.MemorySpace.SMEM),
        out_shape=jax.ShapeDtypeStruct((steps, 1, 1), jnp.float32),
        compiler_params=pltpu.CompilerParams(
            dimension_semantics=("arbitrary",)),
    )(es2, v2)


def kernel(pos_u, pos_v, neg_v, rightsense, v_emb, sense_emb):
    b = pos_u.shape[0]
    n_neg = neg_v.shape[1]
    d = v_emb.shape[1]
    k_senses = sense_emb.shape[0] // v_emb.shape[0]

    rs = jnp.asarray(rightsense, dtype=jnp.int32)
    sense_idx = pos_u.astype(jnp.int32) * jnp.int32(k_senses) + rs
    v_idx = jnp.concatenate([pos_v[None, :], neg_v.T], axis=0).reshape(-1)
    n_v = (1 + n_neg) * b

    def _permute_idx(idx):
        c = idx % 256
        return idx - c + 2 * (c % 128) + c // 128

    sense_idx = _permute_idx(sense_idx)
    v_idx = _permute_idx(v_idx)

    sidx2 = sense_idx.reshape(b // CHUNK, CHUNK)
    vidx2 = v_idx.reshape(n_v // CHUNK, CHUNK)

    v_lin2 = _tc_transpose(v_emb.T)

    s_t, v_lin2_g = lax.optimization_barrier((sense_emb.T, v_lin2))
    v_rows = _sc_gather(v_lin2_g.reshape(-1, d), vidx2, n_v, d)

    s_lin2 = _tc_transpose(s_t)
    s_lin = s_lin2.reshape(-1, d)
    sense_rows = _sc_gather(s_lin, sidx2, b, d)

    es2 = sense_rows.reshape(b // 2, 2 * d)
    v2 = v_rows.reshape(1 + n_neg, b // 2, 2 * d)
    partials = _tc_loss(es2, v2, b, n_neg, d, blk=1024)
    return (-jnp.sum(partials)).reshape(())

# --- scband reference (transcript-rebuilt; emitter-appended) ---
"""Pipeline reference for scband-skip-gram-model-26362509263046 (READ-ONLY COPY).

The authoritative reference and input builder live on the scoring server;
editing this copy changes nothing except your own understanding.
"""

import jax, jax.numpy as jnp
import numpy as np

EMB_SIZE = 100000
K = 5
EMB_DIM = 64
B = 16384
N_NEG = 5


def setup_inputs(seed: int = 0) -> dict:
    key = jax.random.key(seed)
    k0, k1, k2, k3, k4, k5 = jax.random.split(key, 6)
    initrange = 0.5 / EMB_DIM
    pos_u = jax.random.randint(k0, (B,), 0, EMB_SIZE, dtype=jnp.int64 if jax.config.jax_enable_x64 else jnp.int32).astype(jnp.int32)
    pos_v = jax.random.randint(k1, (B,), 0, EMB_SIZE).astype(jnp.int32)
    neg_v = jax.random.randint(k2, (B, N_NEG), 0, EMB_SIZE).astype(jnp.int32)
    v_emb = jax.random.uniform(k3, (EMB_SIZE, EMB_DIM), minval=-initrange, maxval=initrange, dtype=jnp.float32)
    sense_emb = jax.random.uniform(k4, (EMB_SIZE * K, EMB_DIM), minval=-initrange, maxval=initrange, dtype=jnp.float32)
    return {
        "pos_u": pos_u,
        "pos_v": pos_v,
        "neg_v": neg_v,
        "rightsense": 2,
        "v_emb": v_emb,
        "sense_emb": sense_emb,
    }


def reference(pos_u, pos_v, neg_v, rightsense, v_emb, sense_emb):
    # pos_u[i] = pos_u[i] * K + rightsense  (vectorized)
    sense_idx = pos_u * K + rightsense
    # embedding lookups (gather)
    emb_sense = jnp.take(sense_emb, sense_idx, axis=0)      # [B, d]
    emb_v = jnp.take(v_emb, pos_v, axis=0)                  # [B, d]
    score = jnp.sum(emb_sense * emb_v, axis=1)              # [B]
    score = jax.nn.log_sigmoid(score)
    neg_emb_v = jnp.take(v_emb, neg_v, axis=0)              # [B, n_neg, d]
    # torch.bmm(neg_emb_v, emb_sense.unsqueeze(2)).squeeze() -> [B, n_neg]
    neg_score = jnp.einsum("bnd,bd->bn", neg_emb_v, emb_sense)
    neg_score = jax.nn.log_sigmoid(-1.0 * neg_score)
    return -1.0 * (jnp.sum(score) + jnp.sum(neg_score))

if __name__ == "__main__":
    import jax
    _d = setup_inputs()
    print(jax.jit(kernel)(*tuple(_d.values())))

</pallas_src>

<mosaic_0001>
#map = affine_map<(d0, d1) -> (0, 0)>
module attributes {stable_mosaic.version = 14 : i64} {
  func.func @k(%arg0: i32, %arg1: i32, %arg2: memref<100352x64xf32, #tpu.memory_space<hbm>>, %arg3: memref<768x128xi32, #tpu.memory_space<hbm>>, %arg4: memref<98304x64xf32, #tpu.memory_space<hbm>>, %arg5: memref<24x128xi32, #tpu.memory_space<vmem>>, %arg6: memref<128x64xf32, #tpu.memory_space<vmem>>, %arg7: memref<128x64xf32, #tpu.memory_space<vmem>>, %arg8: memref<!tpu.dma_semaphore, #tpu.memory_space<semaphore_mem>>, %arg9: memref<!tpu.dma_semaphore, #tpu.memory_space<semaphore_mem>>) attributes {dimension_semantics = [#tpu.dimension_semantics<core_parallel>, #tpu.dimension_semantics<subcore_parallel>], iteration_bounds = array<i64: 2, 16>, scalar_prefetch = 0 : i64, scratch_operands = 5 : i64, tpu.core_type = #tpu.core_type<sc_vector_subcore>, window_params = [{transform_indices = #map}, {transform_indices = #map}, {transform_indices = #map}]} {
    %mul3A = arith.constant 2 : i32
    %mul3A_0 = arith.muli %arg1, %mul3A : i32
    %add3A = arith.addi %mul3A_0, %arg0 : i32
    %mul3A_1 = arith.constant 24 : i32
    %mul3A_2 = arith.muli %add3A, %mul3A_1 : i32
    "tpu.region"() ({
      %run_scoped3A = tpu.sem_alloc : memref<!tpu.dma_semaphore, #tpu.memory_space<semaphore_mem>>
      %dma_start3A = arith.constant 0 : i32
      %dma_start3A_7 = tpu.memref_slice %arg3[%mul3A_2, %dma_start3A] : memref<768x128xi32, #tpu.memory_space<hbm>> -> memref<24x128xi32, #tpu.memory_space<hbm>>
      %dma_start3A_8 = arith.constant 0 : i32
      %dma_start3A_9 = tpu.memref_slice %arg3[%mul3A_2, %dma_start3A_8] : memref<768x128xi32, #tpu.memory_space<hbm>> -> memref<24x128xi32, #tpu.memory_space<hbm>>
      tpu.enqueue_dma source(%dma_start3A_9 : memref<24x128xi32, #tpu.memory_space<hbm>>) target(%arg5 : memref<24x128xi32, #tpu.memory_space<vmem>>) target_semaphore(%run_scoped3A : memref<!tpu.dma_semaphore, #tpu.memory_space<semaphore_mem>>)
      %dma_wait3A = arith.constant 0 : i32
      %dma_wait3A_10 = tpu.memref_slice %arg3[%mul3A_2, %dma_wait3A] : memref<768x128xi32, #tpu.memory_space<hbm>> -> memref<24x128xi32, #tpu.memory_space<hbm>>
      %dma_wait3A_11 = arith.constant 0 : i32
      %dma_wait3A_12 = tpu.memref_slice %arg3[%mul3A_2, %dma_wait3A_11] : memref<768x128xi32, #tpu.memory_space<hbm>> -> memref<24x128xi32, #tpu.memory_space<hbm>>
      tpu.wait_dma2 semaphore(%run_scoped3A : memref<!tpu.dma_semaphore, #tpu.memory_space<semaphore_mem>>) src(%dma_wait3A_12 : memref<24x128xi32, #tpu.memory_space<hbm>>) dst(%arg5 : memref<24x128xi32, #tpu.memory_space<vmem>>)
      tpu.yield
    }) : () -> ()
    %scan3A = arith.constant 0 : i32
    %scan3A_3 = arith.constant 12 : i32
    %scan3A_4 = arith.addi %scan3A, %scan3A_3 : i32
    %scan3A_5 = arith.constant 1 : i32
    scf.for %scan3A_7 = %scan3A to %scan3A_4 step %scan3A_5  : i32 {
      %mul3A_8 = arith.constant 2 : i32
      %mul3A_9 = arith.muli %scan3A_7, %mul3A_8 : i32
      %add3A_10 = arith.constant 0 : i32
      %add3A_11 = arith.addi %add3A_10, %mul3A_9 : i32
      %dma_start3A = arith.constant 0 : i32
      %dma_start3A_12 = tpu.memref_slice %arg5[%add3A_11, %dma_start3A] : memref<24x128xi32, #tpu.memory_space<vmem>> -> memref<1x128xi32, #tpu.memory_space<vmem>>
      %dma_start3A_13 = tpu.memref_squeeze %dma_start3A_12 : memref<1x128xi32, #tpu.memory_space<vmem>> -> memref<128xi32, #tpu.memory_space<vmem>>
      %dma_start3A_14 = arith.constant 0 : i32
      %dma_start3A_15 = arith.constant 0 : i32
      %dma_start3A_16 = tpu.memref_slice %arg2[%dma_start3A_14, %dma_start3A_15] : memref<100352x64xf32, #tpu.memory_space<hbm>> -> memref<100352x64xf32, #tpu.memory_space<hbm>>
      tpu.enqueue_indirect_dma source(%dma_start3A_16 : memref<100352x64xf32, #tpu.memory_space<hbm>>) target(%arg6 : memref<128x64xf32, #tpu.memory_space<vmem>>) offsets(%dma_start3A_13 : memref<128xi32, #tpu.memory_space<vmem>>) semaphore(%arg8 : memref<!tpu.dma_semaphore, #tpu.memory_space<semaphore_mem>>)
      %dma_wait3A = arith.constant 0 : i32
      %dma_wait3A_17 = tpu.memref_slice %arg5[%add3A_11, %dma_wait3A] : memref<24x128xi32, #tpu.memory_space<vmem>> -> memref<1x128xi32, #tpu.memory_space<vmem>>
      %dma_wait3A_18 = tpu.memref_squeeze %dma_wait3A_17 : memref<1x128xi32, #tpu.memory_space<vmem>> -> memref<128xi32, #tpu.memory_space<vmem>>
      %dma_wait3A_19 = arith.constant 0 : i32
      %dma_wait3A_20 = arith.constant 0 : i32
      %dma_wait3A_21 = tpu.memref_slice %arg2[%dma_wait3A_19, %dma_wait3A_20] : memref<100352x64xf32, #tpu.memory_space<hbm>> -> memref<100352x64xf32, #tpu.memory_space<hbm>>
      tpu.wait_indirect_dma semaphore(%arg8 : memref<!tpu.dma_semaphore, #tpu.memory_space<semaphore_mem>>) src(%dma_wait3A_21 : memref<100352x64xf32, #tpu.memory_space<hbm>>) dst(%arg6 : memref<128x64xf32, #tpu.memory_space<vmem>>)
      %mul3A_22 = arith.constant 24 : i32
      %mul3A_23 = arith.muli %add3A, %mul3A_22 : i32
      %add3A_24 = arith.addi %mul3A_23, %add3A_11 : i32
      %mul3A_25 = arith.constant 128 : i32
      %mul3A_26 = arith.muli %add3A_24, %mul3A_25 : i32
      %dma_start3A_27 = arith.constant 0 : i32
      %dma_start3A_28 = tpu.memref_slice %arg4[%mul3A_26, %dma_start3A_27] : memref<98304x64xf32, #tpu.memory_space<hbm>> -> memref<128x64xf32, #tpu.memory_space<hbm>>
      %dma_start3A_29 = arith.constant 0 : i32
      %dma_start3A_30 = tpu.memref_slice %arg4[%mul3A_26, %dma_start3A_29] : memref<98304x64xf32, #tpu.memory_space<hbm>> -> memref<128x64xf32, #tpu.memory_space<hbm>>
      tpu.enqueue_dma source(%arg6 : memref<128x64xf32, #tpu.memory_space<vmem>>) target(%dma_start3A_30 : memref<128x64xf32, #tpu.memory_space<hbm>>) target_semaphore(%arg8 : memref<!tpu.dma_semaphore, #tpu.memory_space<semaphore_mem>>)
      %add3A_31 = arith.constant 1 : i32
      %add3A_32 = arith.addi %add3A_11, %add3A_31 : i32
      %dma_start3A_33 = arith.constant 0 : i32
      %dma_start3A_34 = tpu.memref_slice %arg5[%add3A_32, %dma_start3A_33] : memref<24x128xi32, #tpu.memory_space<vmem>> -> memref<1x128xi32, #tpu.memory_space<vmem>>
      %dma_start3A_35 = tpu.memref_squeeze %dma_start3A_34 : memref<1x128xi32, #tpu.memory_space<vmem>> -> memref<128xi32, #tpu.memory_space<vmem>>
      %dma_start3A_36 = arith.constant 0 : i32
      %dma_start3A_37 = arith.constant 0 : i32
      %dma_start3A_38 = tpu.memref_slice %arg2[%dma_start3A_36, %dma_start3A_37] : memref<100352x64xf32, #tpu.memory_space<hbm>> -> memref<100352x64xf32, #tpu.memory_space<hbm>>
      tpu.enqueue_indirect_dma source(%dma_start3A_38 : memref<100352x64xf32, #tpu.memory_space<hbm>>) target(%arg7 : memref<128x64xf32, #tpu.memory_space<vmem>>) offsets(%dma_start3A_35 : memref<128xi32, #tpu.memory_space<vmem>>) semaphore(%arg9 : memref<!tpu.dma_semaphore, #tpu.memory_space<semaphore_mem>>)
      %dma_wait3A_39 = arith.constant 0 : i32
      %dma_wait3A_40 = tpu.memref_slice %arg5[%add3A_32, %dma_wait3A_39] : memref<24x128xi32, #tpu.memory_space<vmem>> -> memref<1x128xi32, #tpu.memory_space<vmem>>
      %dma_wait3A_41 = tpu.memref_squeeze %dma_wait3A_40 : memref<1x128xi32, #tpu.memory_space<vmem>> -> memref<128xi32, #tpu.memory_space<vmem>>
      %dma_wait3A_42 = arith.constant 0 : i32
      %dma_wait3A_43 = arith.constant 0 : i32
      %dma_wait3A_44 = tpu.memref_slice %arg2[%dma_wait3A_42, %dma_wait3A_43] : memref<100352x64xf32, #tpu.memory_space<hbm>> -> memref<100352x64xf32, #tpu.memory_space<hbm>>
      tpu.wait_indirect_dma semaphore(%arg9 : memref<!tpu.dma_semaphore, #tpu.memory_space<semaphore_mem>>) src(%dma_wait3A_44 : memref<100352x64xf32, #tpu.memory_space<hbm>>) dst(%arg7 : memref<128x64xf32, #tpu.memory_space<vmem>>)
      %mul3A_45 = arith.constant 24 : i32
      %mul3A_46 = arith.muli %add3A, %mul3A_45 : i32
      %add3A_47 = arith.addi %mul3A_46, %add3A_11 : i32
      %add3A_48 = arith.constant 1 : i32
      %add3A_49 = arith.addi %add3A_47, %add3A_48 : i32
      %mul3A_50 = arith.constant 128 : i32
      %mul3A_51 = arith.muli %add3A_49, %mul3A_50 : i32
      %dma_start3A_52 = arith.constant 0 : i32
      %dma_start3A_53 = tpu.memref_slice %arg4[%mul3A_51, %dma_start3A_52] : memref<98304x64xf32, #tpu.memory_space<hbm>> -> memref<128x64xf32, #tpu.memory_space<hbm>>
      %dma_start3A_54 = arith.constant 0 : i32
      %dma_start3A_55 = tpu.memref_slice %arg4[%mul3A_51, %dma_start3A_54] : memref<98304x64xf32, #tpu.memory_space<hbm>> -> memref<128x64xf32, #tpu.memory_space<hbm>>
      tpu.enqueue_dma source(%arg7 : memref<128x64xf32, #tpu.memory_space<vmem>>) target(%dma_start3A_55 : memref<128x64xf32, #tpu.memory_space<hbm>>) target_semaphore(%arg9 : memref<!tpu.dma_semaphore, #tpu.memory_space<semaphore_mem>>)
      %dma_wait3A_56 = arith.constant 0 : i32
      %dma_wait3A_57 = tpu.memref_slice %arg4[%mul3A_26, %dma_wait3A_56] : memref<98304x64xf32, #tpu.memory_space<hbm>> -> memref<128x64xf32, #tpu.memory_space<hbm>>
      %dma_wait3A_58 = arith.constant 0 : i32
      %dma_wait3A_59 = tpu.memref_slice %arg4[%mul3A_26, %dma_wait3A_58] : memref<98304x64xf32, #tpu.memory_space<hbm>> -> memref<128x64xf32, #tpu.memory_space<hbm>>
      tpu.wait_dma2 semaphore(%arg8 : memref<!tpu.dma_semaphore, #tpu.memory_space<semaphore_mem>>) src(%arg6 : memref<128x64xf32, #tpu.memory_space<vmem>>) dst(%dma_wait3A_59 : memref<128x64xf32, #tpu.memory_space<hbm>>)
      %dma_wait3A_60 = arith.constant 0 : i32
      %dma_wait3A_61 = tpu.memref_slice %arg4[%mul3A_51, %dma_wait3A_60] : memref<98304x64xf32, #tpu.memory_space<hbm>> -> memref<128x64xf32, #tpu.memory_space<hbm>>
      %dma_wait3A_62 = arith.constant 0 : i32
      %dma_wait3A_63 = tpu.memref_slice %arg4[%mul3A_51, %dma_wait3A_62] : memref<98304x64xf32, #tpu.memory_space<hbm>> -> memref<128x64xf32, #tpu.memory_space<hbm>>
      tpu.wait_dma2 semaphore(%arg9 : memref<!tpu.dma_semaphore, #tpu.memory_space<semaphore_mem>>) src(%arg7 : memref<128x64xf32, #tpu.memory_space<vmem>>) dst(%dma_wait3A_63 : memref<128x64xf32, #tpu.memory_space<hbm>>)
    }
    %scan3A_6 = arith.constant 12 : i32
    return
  }
}

#map = affine_map<(d0, d1) -> (0, 0)>
module attributes {stable_mosaic.version = 14 : i64} {
  func.func @k(%arg0: i32, %arg1: i32, %arg2: memref<501760x64xf32, #tpu.memory_space<hbm>>, %arg3: memref<128x128xi32, #tpu.memory_space<hbm>>, %arg4: memref<16384x64xf32, #tpu.memory_space<hbm>>, %arg5: memref<4x128xi32, #tpu.memory_space<vmem>>, %arg6: memref<128x64xf32, #tpu.memory_space<vmem>>, %arg7: memref<128x64xf32, #tpu.memory_space<vmem>>, %arg8: memref<!tpu.dma_semaphore, #tpu.memory_space<semaphore_mem>>, %arg9: memref<!tpu.dma_semaphore, #tpu.memory_space<semaphore_mem>>) attributes {dimension_semantics = [#tpu.dimension_semantics<core_parallel>, #tpu.dimension_semantics<subcore_parallel>], iteration_bounds = array<i64: 2, 16>, scalar_prefetch = 0 : i64, scratch_operands = 5 : i64, tpu.core_type = #tpu.core_type<sc_vector_subcore>, window_params = [{transform_indices = #map}, {transform_indices = #map}, {transform_indices = #map}]} {
    %mul3A = arith.constant 2 : i32
    %mul3A_0 = arith.muli %arg1, %mul3A : i32
    %add3A = arith.addi %mul3A_0, %arg0 : i32
    %mul3A_1 = arith.constant 4 : i32
    %mul3A_2 = arith.muli %add3A, %mul3A_1 : i32
    "tpu.region"() ({
      %run_scoped3A = tpu.sem_alloc : memref<!tpu.dma_semaphore, #tpu.memory_space<semaphore_mem>>
      %dma_start3A = arith.constant 0 : i32
      %dma_start3A_7 = tpu.memref_slice %arg3[%mul3A_2, %dma_start3A] : memref<128x128xi32, #tpu.memory_space<hbm>> -> memref<4x128xi32, #tpu.memory_space<hbm>>
      %dma_start3A_8 = arith.constant 0 : i32
      %dma_start3A_9 = tpu.memref_slice %arg3[%mul3A_2, %dma_start3A_8] : memref<128x128xi32, #tpu.memory_space<hbm>> -> memref<4x128xi32, #tpu.memory_space<hbm>>
      tpu.enqueue_dma source(%dma_start3A_9 : memref<4x128xi32, #tpu.memory_space<hbm>>) target(%arg5 : memref<4x128xi32, #tpu.memory_space<vmem>>) target_semaphore(%run_scoped3A : memref<!tpu.dma_semaphore, #tpu.memory_space<semaphore_mem>>)
      %dma_wait3A = arith.constant 0 : i32
      %dma_wait3A_10 = tpu.memref_slice %arg3[%mul3A_2, %dma_wait3A] : memref<128x128xi32, #tpu.memory_space<hbm>> -> memref<4x128xi32, #tpu.memory_space<hbm>>
      %dma_wait3A_11 = arith.constant 0 : i32
      %dma_wait3A_12 = tpu.memref_slice %arg3[%mul3A_2, %dma_wait3A_11] : memref<128x128xi32, #tpu.memory_space<hbm>> -> memref<4x128xi32, #tpu.memory_space<hbm>>
      tpu.wait_dma2 semaphore(%run_scoped3A : memref<!tpu.dma_semaphore, #tpu.memory_space<semaphore_mem>>) src(%dma_wait3A_12 : memref<4x128xi32, #tpu.memory_space<hbm>>) dst(%arg5 : memref<4x128xi32, #tpu.memory_space<vmem>>)
      tpu.yield
    }) : () -> ()
    %scan3A = arith.constant 0 : i32
    %scan3A_3 = arith.constant 2 : i32
    %scan3A_4 = arith.addi %scan3A, %scan3A_3 : i32
    %scan3A_5 = arith.constant 1 : i32
    scf.for %scan3A_7 = %scan3A to %scan3A_4 step %scan3A_5  : i32 {
      %mul3A_8 = arith.constant 2 : i32
      %mul3A_9 = arith.muli %scan3A_7, %mul3A_8 : i32
      %add3A_10 = arith.constant 0 : i32
      %add3A_11 = arith.addi %add3A_10, %mul3A_9 : i32
      %dma_start3A = arith.constant 0 : i32
      %dma_start3A_12 = tpu.memref_slice %arg5[%add3A_11, %dma_start3A] : memref<4x128xi32, #tpu.memory_space<vmem>> -> memref<1x128xi32, #tpu.memory_space<vmem>>
      %dma_start3A_13 = tpu.memref_squeeze %dma_start3A_12 : memref<1x128xi32, #tpu.memory_space<vmem>> -> memref<128xi32, #tpu.memory_space<vmem>>
      %dma_start3A_14 = arith.constant 0 : i32
      %dma_start3A_15 = arith.constant 0 : i32
      %dma_start3A_16 = tpu.memref_slice %arg2[%dma_start3A_14, %dma_start3A_15] : memref<501760x64xf32, #tpu.memory_space<hbm>> -> memref<501760x64xf32, #tpu.memory_space<hbm>>
      tpu.enqueue_indirect_dma source(%dma_start3A_16 : memref<501760x64xf32, #tpu.memory_space<hbm>>) target(%arg6 : memref<128x64xf32, #tpu.memory_space<vmem>>) offsets(%dma_start3A_13 : memref<128xi32, #tpu.memory_space<vmem>>) semaphore(%arg8 : memref<!tpu.dma_semaphore, #tpu.memory_space<semaphore_mem>>)
      %dma_wait3A = arith.constant 0 : i32
      %dma_wait3A_17 = tpu.memref_slice %arg5[%add3A_11, %dma_wait3A] : memref<4x128xi32, #tpu.memory_space<vmem>> -> memref<1x128xi32, #tpu.memory_space<vmem>>
      %dma_wait3A_18 = tpu.memref_squeeze %dma_wait3A_17 : memref<1x128xi32, #tpu.memory_space<vmem>> -> memref<128xi32, #tpu.memory_space<vmem>>
      %dma_wait3A_19 = arith.constant 0 : i32
      %dma_wait3A_20 = arith.constant 0 : i32
      %dma_wait3A_21 = tpu.memref_slice %arg2[%dma_wait3A_19, %dma_wait3A_20] : memref<501760x64xf32, #tpu.memory_space<hbm>> -> memref<501760x64xf32, #tpu.memory_space<hbm>>
      tpu.wait_indirect_dma semaphore(%arg8 : memref<!tpu.dma_semaphore, #tpu.memory_space<semaphore_mem>>) src(%dma_wait3A_21 : memref<501760x64xf32, #tpu.memory_space<hbm>>) dst(%arg6 : memref<128x64xf32, #tpu.memory_space<vmem>>)
      %mul3A_22 = arith.constant 4 : i32
      %mul3A_23 = arith.muli %add3A, %mul3A_22 : i32
      %add3A_24 = arith.addi %mul3A_23, %add3A_11 : i32
      %mul3A_25 = arith.constant 128 : i32
      %mul3A_26 = arith.muli %add3A_24, %mul3A_25 : i32
      %dma_start3A_27 = arith.constant 0 : i32
      %dma_start3A_28 = tpu.memref_slice %arg4[%mul3A_26, %dma_start3A_27] : memref<16384x64xf32, #tpu.memory_space<hbm>> -> memref<128x64xf32, #tpu.memory_space<hbm>>
      %dma_start3A_29 = arith.constant 0 : i32
      %dma_start3A_30 = tpu.memref_slice %arg4[%mul3A_26, %dma_start3A_29] : memref<16384x64xf32, #tpu.memory_space<hbm>> -> memref<128x64xf32, #tpu.memory_space<hbm>>
      tpu.enqueue_dma source(%arg6 : memref<128x64xf32, #tpu.memory_space<vmem>>) target(%dma_start3A_30 : memref<128x64xf32, #tpu.memory_space<hbm>>) target_semaphore(%arg8 : memref<!tpu.dma_semaphore, #tpu.memory_space<semaphore_mem>>)
      %add3A_31 = arith.constant 1 : i32
      %add3A_32 = arith.addi %add3A_11, %add3A_31 : i32
      %dma_start3A_33 = arith.constant 0 : i32
      %dma_start3A_34 = tpu.memref_slice %arg5[%add3A_32, %dma_start3A_33] : memref<4x128xi32, #tpu.memory_space<vmem>> -> memref<1x128xi32, #tpu.memory_space<vmem>>
      %dma_start3A_35 = tpu.memref_squeeze %dma_start3A_34 : memref<1x128xi32, #tpu.memory_space<vmem>> -> memref<128xi32, #tpu.memory_space<vmem>>
      %dma_start3A_36 = arith.constant 0 : i32
      %dma_start3A_37 = arith.constant 0 : i32
      %dma_start3A_38 = tpu.memref_slice %arg2[%dma_start3A_36, %dma_start3A_37] : memref<501760x64xf32, #tpu.memory_space<hbm>> -> memref<501760x64xf32, #tpu.memory_space<hbm>>
      tpu.enqueue_indirect_dma source(%dma_start3A_38 : memref<501760x64xf32, #tpu.memory_space<hbm>>) target(%arg7 : memref<128x64xf32, #tpu.memory_space<vmem>>) offsets(%dma_start3A_35 : memref<128xi32, #tpu.memory_space<vmem>>) semaphore(%arg9 : memref<!tpu.dma_semaphore, #tpu.memory_space<semaphore_mem>>)
      %dma_wait3A_39 = arith.constant 0 : i32
      %dma_wait3A_40 = tpu.memref_slice %arg5[%add3A_32, %dma_wait3A_39] : memref<4x128xi32, #tpu.memory_space<vmem>> -> memref<1x128xi32, #tpu.memory_space<vmem>>
      %dma_wait3A_41 = tpu.memref_squeeze %dma_wait3A_40 : memref<1x128xi32, #tpu.memory_space<vmem>> -> memref<128xi32, #tpu.memory_space<vmem>>
      %dma_wait3A_42 = arith.constant 0 : i32
      %dma_wait3A_43 = arith.constant 0 : i32
      %dma_wait3A_44 = tpu.memref_slice %arg2[%dma_wait3A_42, %dma_wait3A_43] : memref<501760x64xf32, #tpu.memory_space<hbm>> -> memref<501760x64xf32, #tpu.memory_space<hbm>>
      tpu.wait_indirect_dma semaphore(%arg9 : memref<!tpu.dma_semaphore, #tpu.memory_space<semaphore_mem>>) src(%dma_wait3A_44 : memref<501760x64xf32, #tpu.memory_space<hbm>>) dst(%arg7 : memref<128x64xf32, #tpu.memory_space<vmem>>)
      %mul3A_45 = arith.constant 4 : i32
      %mul3A_46 = arith.muli %add3A, %mul3A_45 : i32
      %add3A_47 = arith.addi %mul3A_46, %add3A_11 : i32
      %add3A_48 = arith.constant 1 : i32
      %add3A_49 = arith.addi %add3A_47, %add3A_48 : i32
      %mul3A_50 = arith.constant 128 : i32
      %mul3A_51 = arith.muli %add3A_49, %mul3A_50 : i32
      %dma_start3A_52 = arith.constant 0 : i32
      %dma_start3A_53 = tpu.memref_slice %arg4[%mul3A_51, %dma_start3A_52] : memref<16384x64xf32, #tpu.memory_space<hbm>> -> memref<128x64xf32, #tpu.memory_space<hbm>>
      %dma_start3A_54 = arith.constant 0 : i32
      %dma_start3A_55 = tpu.memref_slice %arg4[%mul3A_51, %dma_start3A_54] : memref<16384x64xf32, #tpu.memory_space<hbm>> -> memref<128x64xf32, #tpu.memory_space<hbm>>
      tpu.enqueue_dma source(%arg7 : memref<128x64xf32, #tpu.memory_space<vmem>>) target(%dma_start3A_55 : memref<128x64xf32, #tpu.memory_space<hbm>>) target_semaphore(%arg9 : memref<!tpu.dma_semaphore, #tpu.memory_space<semaphore_mem>>)
      %dma_wait3A_56 = arith.constant 0 : i32
      %dma_wait3A_57 = tpu.memref_slice %arg4[%mul3A_26, %dma_wait3A_56] : memref<16384x64xf32, #tpu.memory_space<hbm>> -> memref<128x64xf32, #tpu.memory_space<hbm>>
      %dma_wait3A_58 = arith.constant 0 : i32
      %dma_wait3A_59 = tpu.memref_slice %arg4[%mul3A_26, %dma_wait3A_58] : memref<16384x64xf32, #tpu.memory_space<hbm>> -> memref<128x64xf32, #tpu.memory_space<hbm>>
      tpu.wait_dma2 semaphore(%arg8 : memref<!tpu.dma_semaphore, #tpu.memory_space<semaphore_mem>>) src(%arg6 : memref<128x64xf32, #tpu.memory_space<vmem>>) dst(%dma_wait3A_59 : memref<128x64xf32, #tpu.memory_space<hbm>>)
      %dma_wait3A_60 = arith.constant 0 : i32
      %dma_wait3A_61 = tpu.memref_slice %arg4[%mul3A_51, %dma_wait3A_60] : memref<16384x64xf32, #tpu.memory_space<hbm>> -> memref<128x64xf32, #tpu.memory_space<hbm>>
      %dma_wait3A_62 = arith.constant 0 : i32
      %dma_wait3A_63 = tpu.memref_slice %arg4[%mul3A_51, %dma_wait3A_62] : memref<16384x64xf32, #tpu.memory_space<hbm>> -> memref<128x64xf32, #tpu.memory_space<hbm>>
      tpu.wait_dma2 semaphore(%arg9 : memref<!tpu.dma_semaphore, #tpu.memory_space<semaphore_mem>>) src(%arg7 : memref<128x64xf32, #tpu.memory_space<vmem>>) dst(%dma_wait3A_63 : memref<128x64xf32, #tpu.memory_space<hbm>>)
    }
    %scan3A_6 = arith.constant 2 : i32
    return
  }
}

module attributes {stable_mosaic.version = 14 : i64} {
  func.func @body(%arg0: i32, %arg1: memref<64x2048xf32, #tpu.memory_space<vmem>>, %arg2: memref<1024x128xf32, #tpu.memory_space<vmem>>) attributes {dimension_semantics = [#tpu.dimension_semantics<arbitrary>], iteration_bounds = array<i64: 49>, scalar_prefetch = 0 : i64, scratch_operands = 0 : i64, tpu.core_type = #tpu.core_type<tc>, window_params = [{transform_indices = @transform_0, window_bounds = array<i64: 64, 2048>}, {transform_indices = @transform_1, window_bounds = array<i64: 1024, 128>}]} {
    %get3A = arith.constant 0 : index
    %get3A_0 = arith.constant 0 : index
    %get3A_1 = vector.load %arg1[%get3A, %get3A_0] : memref<64x2048xf32, #tpu.memory_space<vmem>>, vector<64x2048xf32>
    %slice3A = vector.extract_strided_slice %get3A_1 {offsets = [0, 0], sizes = [64, 128], strides = [1, 1]} : vector<64x2048xf32> to vector<64x128xf32>
    %slice3A_2 = vector.extract_strided_slice %get3A_1 {offsets = [0, 128], sizes = [64, 128], strides = [1, 1]} : vector<64x2048xf32> to vector<64x128xf32>
    %concatenate3A = tpu.concatenate %slice3A, %slice3A_2 in 0 : vector<64x128xf32>, vector<64x128xf32> -> vector<128x128xf32>
    %transpose3A = tpu.transpose %concatenate3A, [1, 0] : vector<128x128xf32> -> vector<128x128xf32>
    %slice3A_3 = vector.extract_strided_slice %get3A_1 {offsets = [0, 256], sizes = [64, 128], strides = [1, 1]} : vector<64x2048xf32> to vector<64x128xf32>
    %slice3A_4 = vector.extract_strided_slice %get3A_1 {offsets = [0, 384], sizes = [64, 128], strides = [1, 1]} : vector<64x2048xf32> to vector<64x128xf32>
    %concatenate3A_5 = tpu.concatenate %slice3A_3, %slice3A_4 in 0 : vector<64x128xf32>, vector<64x128xf32> -> vector<128x128xf32>
    %transpose3A_6 = tpu.transpose %concatenate3A_5, [1, 0] : vector<128x128xf32> -> vector<128x128xf32>
    %slice3A_7 = vector.extract_strided_slice %get3A_1 {offsets = [0, 512], sizes = [64, 128], strides = [1, 1]} : vector<64x2048xf32> to vector<64x128xf32>
    %slice3A_8 = vector.extract_strided_slice %get3A_1 {offsets = [0, 640], sizes = [64, 128], strides = [1, 1]} : vector<64x2048xf32> to vector<64x128xf32>
    %concatenate3A_9 = tpu.concatenate %slice3A_7, %slice3A_8 in 0 : vector<64x128xf32>, vector<64x128xf32> -> vector<128x128xf32>
    %transpose3A_10 = tpu.transpose %concatenate3A_9, [1, 0] : vector<128x128xf32> -> vector<128x128xf32>
    %slice3A_11 = vector.extract_strided_slice %get3A_1 {offsets = [0, 768], sizes = [64, 128], strides = [1, 1]} : vector<64x2048xf32> to vector<64x128xf32>
    %slice3A_12 = vector.extract_strided_slice %get3A_1 {offsets = [0, 896], sizes = [64, 128], strides = [1, 1]} : vector<64x2048xf32> to vector<64x128xf32>
    %concatenate3A_13 = tpu.concatenate %slice3A_11, %slice3A_12 in 0 : vector<64x128xf32>, vector<64x128xf32> -> vector<128x128xf32>
    %transpose3A_14 = tpu.transpose %concatenate3A_13, [1, 0] : vector<128x128xf32> -> vector<128x128xf32>
    %slice3A_15 = vector.extract_strided_slice %get3A_1 {offsets = [0, 1024], sizes = [64, 128], strides = [1, 1]} : vector<64x2048xf32> to vector<64x128xf32>
    %slice3A_16 = vector.extract_strided_slice %get3A_1 {offsets = [0, 1152], sizes = [64, 128], strides = [1, 1]} : vector<64x2048xf32> to vector<64x128xf32>
    %concatenate3A_17 = tpu.concatenate %slice3A_15, %slice3A_16 in 0 : vector<64x128xf32>, vector<64x128xf32> -> vector<128x128xf32>
    %transpose3A_18 = tpu.transpose %concatenate3A_17, [1, 0] : vector<128x128xf32> -> vector<128x128xf32>
    %slice3A_19 = vector.extract_strided_slice %get3A_1 {offsets = [0, 1280], sizes = [64, 128], strides = [1, 1]} : vector<64x2048xf32> to vector<64x128xf32>
    %slice3A_20 = vector.extract_strided_slice %get3A_1 {offsets = [0, 1408], sizes = [64, 128], strides = [1, 1]} : vector<64x2048xf32> to vector<64x128xf32>
    %concatenate3A_21 = tpu.concatenate %slice3A_19, %slice3A_20 in 0 : vector<64x128xf32>, vector<64x128xf32> -> vector<128x128xf32>
    %transpose3A_22 = tpu.transpose %concatenate3A_21, [1, 0] : vector<128x128xf32> -> vector<128x128xf32>
    %slice3A_23 = vector.extract_strided_slice %get3A_1 {offsets = [0, 1536], sizes = [64, 128], strides = [1, 1]} : vector<64x2048xf32> to vector<64x128xf32>
    %slice3A_24 = vector.extract_strided_slice %get3A_1 {offsets = [0, 1664], sizes = [64, 128], strides = [1, 1]} : vector<64x2048xf32> to vector<64x128xf32>
    %concatenate3A_25 = tpu.concatenate %slice3A_23, %slice3A_24 in 0 : vector<64x128xf32>, vector<64x128xf32> -> vector<128x128xf32>
    %transpose3A_26 = tpu.transpose %concatenate3A_25, [1, 0] : vector<128x128xf32> -> vector<128x128xf32>
    %slice3A_27 = vector.extract_strided_slice %get3A_1 {offsets = [0, 1792], sizes = [64, 128], strides = [1, 1]} : vector<64x2048xf32> to vector<64x128xf32>
    %slice3A_28 = vector.extract_strided_slice %get3A_1 {offsets = [0, 1920], sizes = [64, 128], strides = [1, 1]} : vector<64x2048xf32> to vector<64x128xf32>
    %concatenate3A_29 = tpu.concatenate %slice3A_27, %slice3A_28 in 0 : vector<64x128xf32>, vector<64x128xf32> -> vector<128x128xf32>
    %transpose3A_30 = tpu.transpose %concatenate3A_29, [1, 0] : vector<128x128xf32> -> vector<128x128xf32>
    %concatenate3A_31 = tpu.concatenate %transpose3A, %transpose3A_6, %transpose3A_10, %transpose3A_14, %transpose3A_18, %transpose3A_22, %transpose3A_26, %transpose3A_30 in 0 : vector<128x128xf32>, vector<128x128xf32>, vector<128x128xf32>, vector<128x128xf32>, vector<128x128xf32>, vector<128x128xf32>, vector<128x128xf32>, vector<128x128xf32> -> vector<1024x128xf32>
    %swap3A = arith.constant 0 : index
    %swap3A_32 = arith.constant 0 : index
    %swap3A_33 = vector.load %arg2[%swap3A, %swap3A_32] : memref<1024x128xf32, #tpu.memory_space<vmem>>, vector<1024x128xf32>
    tpu.vector_store %arg2[%swap3A, %swap3A_32], %concatenate3A_31 {strides = array<i32>} : memref<1024x128xf32, #tpu.memory_space<vmem>>, vector<1024x128xf32>,
    return
  }
  func.func @transform_0(%arg0: i32) -> (i32, i32) {
    %c0_i32 = arith.constant 0 : i32
    %c0_i32_0 = arith.constant 0 : i32
    return %c0_i32, %arg0 : i32, i32
  }
  func.func @transform_1(%arg0: i32) -> (i32, i32) {
    %c0_i32 = arith.constant 0 : i32
    %c0_i32_0 = arith.constant 0 : i32
    return %arg0, %c0_i32 : i32, i32
  }
}

module attributes {stable_mosaic.version = 14 : i64} {
  func.func @body(%arg0: i32, %arg1: memref<64x2048xf32, #tpu.memory_space<vmem>>, %arg2: memref<1024x128xf32, #tpu.memory_space<vmem>>) attributes {dimension_semantics = [#tpu.dimension_semantics<arbitrary>], iteration_bounds = array<i64: 245>, scalar_prefetch = 0 : i64, scratch_operands = 0 : i64, tpu.core_type = #tpu.core_type<tc>, window_params = [{transform_indices = @transform_0, window_bounds = array<i64: 64, 2048>}, {transform_indices = @transform_1, window_bounds = array<i64: 1024, 128>}]} {
    %get3A = arith.constant 0 : index
    %get3A_0 = arith.constant 0 : index
    %get3A_1 = vector.load %arg1[%get3A, %get3A_0] : memref<64x2048xf32, #tpu.memory_space<vmem>>, vector<64x2048xf32>
    %slice3A = vector.extract_strided_slice %get3A_1 {offsets = [0, 0], sizes = [64, 128], strides = [1, 1]} : vector<64x2048xf32> to vector<64x128xf32>
    %slice3A_2 = vector.extract_strided_slice %get3A_1 {offsets = [0, 128], sizes = [64, 128], strides = [1, 1]} : vector<64x2048xf32> to vector<64x128xf32>
    %concatenate3A = tpu.concatenate %slice3A, %slice3A_2 in 0 : vector<64x128xf32>, vector<64x128xf32> -> vector<128x128xf32>
    %transpose3A = tpu.transpose %concatenate3A, [1, 0] : vector<128x128xf32> -> vector<128x128xf32>
    %slice3A_3 = vector.extract_strided_slice %get3A_1 {offsets = [0, 256], sizes = [64, 128], strides = [1, 1]} : vector<64x2048xf32> to vector<64x128xf32>
    %slice3A_4 = vector.extract_strided_slice %get3A_1 {offsets = [0, 384], sizes = [64, 128], strides = [1, 1]} : vector<64x2048xf32> to vector<64x128xf32>
    %concatenate3A_5 = tpu.concatenate %slice3A_3, %slice3A_4 in 0 : vector<64x128xf32>, vector<64x128xf32> -> vector<128x128xf32>
    %transpose3A_6 = tpu.transpose %concatenate3A_5, [1, 0] : vector<128x128xf32> -> vector<128x128xf32>
    %slice3A_7 = vector.extract_strided_slice %get3A_1 {offsets = [0, 512], sizes = [64, 128], strides = [1, 1]} : vector<64x2048xf32> to vector<64x128xf32>
    %slice3A_8 = vector.extract_strided_slice %get3A_1 {offsets = [0, 640], sizes = [64, 128], strides = [1, 1]} : vector<64x2048xf32> to vector<64x128xf32>
    %concatenate3A_9 = tpu.concatenate %slice3A_7, %slice3A_8 in 0 : vector<64x128xf32>, vector<64x128xf32> -> vector<128x128xf32>
    %transpose3A_10 = tpu.transpose %concatenate3A_9, [1, 0] : vector<128x128xf32> -> vector<128x128xf32>
    %slice3A_11 = vector.extract_strided_slice %get3A_1 {offsets = [0, 768], sizes = [64, 128], strides = [1, 1]} : vector<64x2048xf32> to vector<64x128xf32>
    %slice3A_12 = vector.extract_strided_slice %get3A_1 {offsets = [0, 896], sizes = [64, 128], strides = [1, 1]} : vector<64x2048xf32> to vector<64x128xf32>
    %concatenate3A_13 = tpu.concatenate %slice3A_11, %slice3A_12 in 0 : vector<64x128xf32>, vector<64x128xf32> -> vector<128x128xf32>
    %transpose3A_14 = tpu.transpose %concatenate3A_13, [1, 0] : vector<128x128xf32> -> vector<128x128xf32>
    %slice3A_15 = vector.extract_strided_slice %get3A_1 {offsets = [0, 1024], sizes = [64, 128], strides = [1, 1]} : vector<64x2048xf32> to vector<64x128xf32>
    %slice3A_16 = vector.extract_strided_slice %get3A_1 {offsets = [0, 1152], sizes = [64, 128], strides = [1, 1]} : vector<64x2048xf32> to vector<64x128xf32>
    %concatenate3A_17 = tpu.concatenate %slice3A_15, %slice3A_16 in 0 : vector<64x128xf32>, vector<64x128xf32> -> vector<128x128xf32>
    %transpose3A_18 = tpu.transpose %concatenate3A_17, [1, 0] : vector<128x128xf32> -> vector<128x128xf32>
    %slice3A_19 = vector.extract_strided_slice %get3A_1 {offsets = [0, 1280], sizes = [64, 128], strides = [1, 1]} : vector<64x2048xf32> to vector<64x128xf32>
    %slice3A_20 = vector.extract_strided_slice %get3A_1 {offsets = [0, 1408], sizes = [64, 128], strides = [1, 1]} : vector<64x2048xf32> to vector<64x128xf32>
    %concatenate3A_21 = tpu.concatenate %slice3A_19, %slice3A_20 in 0 : vector<64x128xf32>, vector<64x128xf32> -> vector<128x128xf32>
    %transpose3A_22 = tpu.transpose %concatenate3A_21, [1, 0] : vector<128x128xf32> -> vector<128x128xf32>
    %slice3A_23 = vector.extract_strided_slice %get3A_1 {offsets = [0, 1536], sizes = [64, 128], strides = [1, 1]} : vector<64x2048xf32> to vector<64x128xf32>
    %slice3A_24 = vector.extract_strided_slice %get3A_1 {offsets = [0, 1664], sizes = [64, 128], strides = [1, 1]} : vector<64x2048xf32> to vector<64x128xf32>
    %concatenate3A_25 = tpu.concatenate %slice3A_23, %slice3A_24 in 0 : vector<64x128xf32>, vector<64x128xf32> -> vector<128x128xf32>
    %transpose3A_26 = tpu.transpose %concatenate3A_25, [1, 0] : vector<128x128xf32> -> vector<128x128xf32>
    %slice3A_27 = vector.extract_strided_slice %get3A_1 {offsets = [0, 1792], sizes = [64, 128], strides = [1, 1]} : vector<64x2048xf32> to vector<64x128xf32>
    %slice3A_28 = vector.extract_strided_slice %get3A_1 {offsets = [0, 1920], sizes = [64, 128], strides = [1, 1]} : vector<64x2048xf32> to vector<64x128xf32>
    %concatenate3A_29 = tpu.concatenate %slice3A_27, %slice3A_28 in 0 : vector<64x128xf32>, vector<64x128xf32> -> vector<128x128xf32>
    %transpose3A_30 = tpu.transpose %concatenate3A_29, [1, 0] : vector<128x128xf32> -> vector<128x128xf32>
    %concatenate3A_31 = tpu.concatenate %transpose3A, %transpose3A_6, %transpose3A_10, %transpose3A_14, %transpose3A_18, %transpose3A_22, %transpose3A_26, %transpose3A_30 in 0 : vector<128x128xf32>, vector<128x128xf32>, vector<128x128xf32>, vector<128x128xf32>, vector<128x128xf32>, vector<128x128xf32>, vector<128x128xf32>, vector<128x128xf32> -> vector<1024x128xf32>
    %swap3A = arith.constant 0 : index
    %swap3A_32 = arith.constant 0 : index
    %swap3A_33 = vector.load %arg2[%swap3A, %swap3A_32] : memref<1024x128xf32, #tpu.memory_space<vmem>>, vector<1024x128xf32>
    tpu.vector_store %arg2[%swap3A, %swap3A_32], %concatenate3A_31 {strides = array<i32>} : memref<1024x128xf32, #tpu.memory_space<vmem>>, vector<1024x128xf32>,
    return
  }
  func.func @transform_0(%arg0: i32) -> (i32, i32) {
    %c0_i32 = arith.constant 0 : i32
    %c0_i32_0 = arith.constant 0 : i32
    return %c0_i32, %arg0 : i32, i32
  }
  func.func @transform_1(%arg0: i32) -> (i32, i32) {
    %c0_i32 = arith.constant 0 : i32
    %c0_i32_0 = arith.constant 0 : i32
    return %arg0, %c0_i32 : i32, i32
  }
}

module attributes {stable_mosaic.version = 14 : i64} {
  func.func @body(%arg0: i32, %arg1: memref<1024x128xf32, #tpu.memory_space<vmem>>, %arg2: memref<6x1024x128xf32, #tpu.memory_space<vmem>>, %arg3: memref<1x1x1xf32, #tpu.memory_space<smem>>) attributes {dimension_semantics = [#tpu.dimension_semantics<arbitrary>], iteration_bounds = array<i64: 8>, scalar_prefetch = 0 : i64, scratch_operands = 0 : i64, tpu.core_type = #tpu.core_type<tc>, window_params = [{transform_indices = @transform_0, window_bounds = array<i64: 1024, 128>}, {transform_indices = @transform_1, window_bounds = array<i64: 6, 1024, 128>}, {transform_indices = @transform_2, window_bounds = array<i64: 1, 1, 1>}]} {
    %get3A = arith.constant 0 : index
    %get3A_0 = arith.constant 0 : index
    %get3A_1 = vector.load %arg1[%get3A, %get3A_0] : memref<1024x128xf32, #tpu.memory_space<vmem>>, vector<1024x128xf32>
    %iota3A = tpu.iota {dimensions = array<i32: 0>} : vector<128x8xi32>
    %jit3A = arith.constant 64 : i32
    %div3A = vector.broadcast %jit3A : i32 to vector<128x8xi32>
    %div3A_2 = arith.divsi %iota3A, %div3A : vector<128x8xi32>
    %sign3A = arith.constant 0 : i32
    %sign3A_3 = vector.broadcast %sign3A : i32 to vector<128x8xi32>
    %sign3A_4 = arith.cmpi sgt, %iota3A, %sign3A_3 : vector<128x8xi32>
    %sign3A_5 = arith.extui %sign3A_4 : vector<128x8xi1> to vector<128x8xi32>
    %sign3A_6 = arith.constant 0 : i32
    %sign3A_7 = vector.broadcast %sign3A_6 : i32 to vector<128x8xi32>
    %sign3A_8 = arith.cmpi slt, %iota3A, %sign3A_7 : vector<128x8xi32>
    %sign3A_9 = arith.extui %sign3A_8 : vector<128x8xi1> to vector<128x8xi32>
    %sign3A_10 = arith.subi %sign3A_5, %sign3A_9 : vector<128x8xi32>
    %sign3A_11 = arith.constant 0 : i32
    %sign3A_12 = arith.cmpi sgt, %jit3A, %sign3A_11 : i32
    %sign3A_13 = arith.extui %sign3A_12 : i1 to i32
    %sign3A_14 = arith.constant 0 : i32
    %sign3A_15 = arith.cmpi slt, %jit3A, %sign3A_14 : i32
    %sign3A_16 = arith.extui %sign3A_15 : i1 to i32
    %sign3A_17 = arith.subi %sign3A_13, %sign3A_16 : i32
    %ne3A = vector.broadcast %sign3A_17 : i32 to vector<128x8xi32>
    %ne3A_18 = arith.cmpi ne, %sign3A_10, %ne3A : vector<128x8xi32>
    %rem3A = vector.broadcast %jit3A : i32 to vector<128x8xi32>
    %rem3A_19 = arith.remsi %iota3A, %rem3A : vector<128x8xi32>
    %ne3A_20 = arith.constant 0 : i32
    %ne3A_21 = vector.broadcast %ne3A_20 : i32 to vector<128x8xi32>
    %ne3A_22 = arith.cmpi ne, %rem3A_19, %ne3A_21 : vector<128x8xi32>
    %and3A = arith.andi %ne3A_18, %ne3A_22 : vector<128x8xi1>
    %sub3A = arith.constant 1 : i32
    %sub3A_23 = vector.broadcast %sub3A : i32 to vector<128x8xi32>
    %sub3A_24 = arith.subi %div3A_2, %sub3A_23 : vector<128x8xi32>
    %select_n3A = arith.select %and3A, %sub3A_24, %div3A_2 : vector<128x8xi1>, vector<128x8xi32>
    %iota3A_25 = tpu.iota {dimensions = array<i32: 1>} : vector<128x8xi32>
    %eq3A = arith.cmpi eq, %select_n3A, %iota3A_25 : vector<128x8xi32>
    %convert_element_type3A = arith.extui %eq3A : vector<128x8xi1> to vector<128x8xi32>
    %convert_element_type3A_26 = arith.sitofp %convert_element_type3A : vector<128x8xi32> to vector<128x8xf32>
    %convert_element_type3A_27 = arith.truncf %convert_element_type3A_26 : vector<128x8xf32> to vector<128x8xbf16>
    %get3A_28 = arith.constant 0 : index
    %get3A_29 = arith.constant 0 : index
    %get3A_30 = arith.constant 0 : index
    %get3A_31 = vector.load %arg2[%get3A_28, %get3A_29, %get3A_30] : memref<6x1024x128xf32, #tpu.memory_space<vmem>>, vector<1x1024x128xf32>
    %get3A_32 = vector.shape_cast %get3A_31 : vector<1x1024x128xf32> to vector<1024x128xf32>
    %mul3A = arith.mulf %get3A_1, %get3A_32 : vector<1024x128xf32>
    %convert_element_type3A_33 = arith.truncf %mul3A : vector<1024x128xf32> to vector<1024x128xbf16>
    %dot_general3A = arith.constant dense<0.000000e+00> : vector<1024x8xf32>
    %dot_general3A_34 = tpu.matmul %convert_element_type3A_33, %convert_element_type3A_27, %dot_general3A {dimension_numbers = #tpu.dot_dimension_numbers<[1], [0], [0], [1], [0, 0, 1, 1], [], []>, transpose_lhs_hint = false} : vector<1024x128xbf16>, vector<128x8xbf16>, vector<1024x8xf32> -> vector<1024x8xf32>
    %slice3A = vector.extract_strided_slice %dot_general3A_34 {offsets = [0, 0], sizes = [1024, 2], strides = [1, 1]} : vector<1024x8xf32> to vector<1024x2xf32>
    %neg3A = arith.constant 0.000000e+00 : f32
    %neg3A_35 = vector.broadcast %neg3A : f32 to vector<1024x2xf32>
    %neg3A_36 = arith.subf %neg3A_35, %slice3A : vector<1024x2xf32>
    %custom_jvp_call3A = arith.constant 0.000000e+00 : f32
    %max3A = vector.broadcast %custom_jvp_call3A : f32 to vector<1024x2xf32>
    %max3A_37 = arith.maximumf %neg3A_36, %max3A : vector<1024x2xf32>
    %sub3A_38 = vector.broadcast %custom_jvp_call3A : f32 to vector<1024x2xf32>
    %sub3A_39 = arith.subf %neg3A_36, %sub3A_38 : vector<1024x2xf32>
    %ne3A_40 = arith.cmpf one, %sub3A_39, %sub3A_39 : vector<1024x2xf32>
    %add3A = vector.broadcast %custom_jvp_call3A : f32 to vector<1024x2xf32>
    %add3A_41 = arith.addf %neg3A_36, %add3A : vector<1024x2xf32>
    %abs3A = math.absf %sub3A_39 : vector<1024x2xf32>
    %neg3A_42 = arith.constant 0.000000e+00 : f32
    %neg3A_43 = vector.broadcast %neg3A_42 : f32 to vector<1024x2xf32>
    %neg3A_44 = arith.subf %neg3A_43, %abs3A : vector<1024x2xf32>
    %exp3A = math.exp %neg3A_44 : vector<1024x2xf32>
    %log1p3A = math.log1p %exp3A : vector<1024x2xf32>
    %add3A_45 = arith.addf %max3A_37, %log1p3A : vector<1024x2xf32>
    %select_n3A_46 = arith.select %ne3A_40, %add3A_41, %add3A_45 : vector<1024x2xi1>, vector<1024x2xf32>
    %neg3A_47 = arith.constant 0.000000e+00 : f32
    %neg3A_48 = vector.broadcast %neg3A_47 : f32 to vector<1024x2xf32>
    %neg3A_49 = arith.subf %neg3A_48, %select_n3A_46 : vector<1024x2xf32>
    %reduce_sum3A = vector.shape_cast %neg3A_49 : vector<1024x2xf32> to vector<1x1024x2xf32>
    %reduce_sum3A_50 = arith.constant dense<0.000000e+00> : vector<1xf32>
    %reduce_sum3A_51 = vector.multi_reduction <add>, %reduce_sum3A, %reduce_sum3A_50 [1, 2] : vector<1x1024x2xf32> to vector<1xf32>
    %reduce_sum3A_52 = vector.shape_cast %reduce_sum3A_51 : vector<1xf32> to vector<1x1x1xf32>
    %reduce_sum3A_53 = vector.extract %reduce_sum3A_52[0, 0, 0] : f32 from vector<1x1x1xf32>
    %add3A_54 = arith.constant 0.000000e+00 : f32
    %add3A_55 = arith.addf %add3A_54, %reduce_sum3A_53 : f32
    %get3A_56 = arith.constant 1 : index
    %get3A_57 = arith.constant 0 : index
    %get3A_58 = arith.constant 0 : index
    %get3A_59 = vector.load %arg2[%get3A_56, %get3A_57, %get3A_58] : memref<6x1024x128xf32, #tpu.memory_space<vmem>>, vector<1x1024x128xf32>
    %get3A_60 = vector.shape_cast %get3A_59 : vector<1x1024x128xf32> to vector<1024x128xf32>
    %mul3A_61 = arith.mulf %get3A_1, %get3A_60 : vector<1024x128xf32>
    %convert_element_type3A_62 = arith.truncf %mul3A_61 : vector<1024x128xf32> to vector<1024x128xbf16>
    %dot_general3A_63 = arith.constant dense<0.000000e+00> : vector<1024x8xf32>
    %dot_general3A_64 = tpu.matmul %convert_element_type3A_62, %convert_element_type3A_27, %dot_general3A_63 {dimension_numbers = #tpu.dot_dimension_numbers<[1], [0], [0], [1], [0, 0, 1, 1], [], []>, transpose_lhs_hint = false} : vector<1024x128xbf16>, vector<128x8xbf16>, vector<1024x8xf32> -> vector<1024x8xf32>
    %slice3A_65 = vector.extract_strided_slice %dot_general3A_64 {offsets = [0, 0], sizes = [1024, 2], strides = [1, 1]} : vector<1024x8xf32> to vector<1024x2xf32>
    %neg3A_66 = arith.constant 0.000000e+00 : f32
    %neg3A_67 = vector.broadcast %neg3A_66 : f32 to vector<1024x2xf32>
    %neg3A_68 = arith.subf %neg3A_67, %slice3A_65 : vector<1024x2xf32>
    %neg3A_69 = arith.constant 0.000000e+00 : f32
    %neg3A_70 = vector.broadcast %neg3A_69 : f32 to vector<1024x2xf32>
    %neg3A_71 = arith.subf %neg3A_70, %neg3A_68 : vector<1024x2xf32>
    %custom_jvp_call3A_72 = arith.constant 0.000000e+00 : f32
    %max3A_73 = vector.broadcast %custom_jvp_call3A_72 : f32 to vector<1024x2xf32>
    %max3A_74 = arith.maximumf %neg3A_71, %max3A_73 : vector<1024x2xf32>
    %sub3A_75 = vector.broadcast %custom_jvp_call3A_72 : f32 to vector<1024x2xf32>
    %sub3A_76 = arith.subf %neg3A_71, %sub3A_75 : vector<1024x2xf32>
    %ne3A_77 = arith.cmpf one, %sub3A_76, %sub3A_76 : vector<1024x2xf32>
    %add3A_78 = vector.broadcast %custom_jvp_call3A_72 : f32 to vector<1024x2xf32>
    %add3A_79 = arith.addf %neg3A_71, %add3A_78 : vector<1024x2xf32>
    %abs3A_80 = math.absf %sub3A_76 : vector<1024x2xf32>
    %neg3A_81 = arith.constant 0.000000e+00 : f32
    %neg3A_82 = vector.broadcast %neg3A_81 : f32 to vector<1024x2xf32>
    %neg3A_83 = arith.subf %neg3A_82, %abs3A_80 : vector<1024x2xf32>
    %exp3A_84 = math.exp %neg3A_83 : vector<1024x2xf32>
    %log1p3A_85 = math.log1p %exp3A_84 : vector<1024x2xf32>
    %add3A_86 = arith.addf %max3A_74, %log1p3A_85 : vector<1024x2xf32>
    %select_n3A_87 = arith.select %ne3A_77, %add3A_79, %add3A_86 : vector<1024x2xi1>, vector<1024x2xf32>
    %neg3A_88 = arith.constant 0.000000e+00 : f32
    %neg3A_89 = vector.broadcast %neg3A_88 : f32 to vector<1024x2xf32>
    %neg3A_90 = arith.subf %neg3A_89, %select_n3A_87 : vector<1024x2xf32>
    %reduce_sum3A_91 = vector.shape_cast %neg3A_90 : vector<1024x2xf32> to vector<1x1024x2xf32>
    %reduce_sum3A_92 = arith.constant dense<0.000000e+00> : vector<1xf32>
    %reduce_sum3A_93 = vector.multi_reduction <add>, %reduce_sum3A_91, %reduce_sum3A_92 [1, 2] : vector<1x1024x2xf32> to vector<1xf32>
    %reduce_sum3A_94 = vector.shape_cast %reduce_sum3A_93 : vector<1xf32> to vector<1x1x1xf32>
    %reduce_sum3A_95 = vector.extract %reduce_sum3A_94[0, 0, 0] : f32 from vector<1x1x1xf32>
    %add3A_96 = arith.addf %add3A_55, %reduce_sum3A_95 : f32
    %get3A_97 = arith.constant 2 : index
    %get3A_98 = arith.constant 0 : index
    %get3A_99 = arith.constant 0 : index
    %get3A_100 = vector.load %arg2[%get3A_97, %get3A_98, %get3A_99] : memref<6x1024x128xf32, #tpu.memory_space<vmem>>, vector<1x1024x128xf32>
    %get3A_101 = vector.shape_cast %get3A_100 : vector<1x1024x128xf32> to vector<1024x128xf32>
    %mul3A_102 = arith.mulf %get3A_1, %get3A_101 : vector<1024x128xf32>
    %convert_element_type3A_103 = arith.truncf %mul3A_102 : vector<1024x128xf32> to vector<1024x128xbf16>
    %dot_general3A_104 = arith.constant dense<0.000000e+00> : vector<1024x8xf32>
    %dot_general3A_105 = tpu.matmul %convert_element_type3A_103, %convert_element_type3A_27, %dot_general3A_104 {dimension_numbers = #tpu.dot_dimension_numbers<[1], [0], [0], [1], [0, 0, 1, 1], [], []>, transpose_lhs_hint = false} : vector<1024x128xbf16>, vector<128x8xbf16>, vector<1024x8xf32> -> vector<1024x8xf32>
    %slice3A_106 = vector.extract_strided_slice %dot_general3A_105 {offsets = [0, 0], sizes = [1024, 2], strides = [1, 1]} : vector<1024x8xf32> to vector<1024x2xf32>
    %neg3A_107 = arith.constant 0.000000e+00 : f32
    %neg3A_108 = vector.broadcast %neg3A_107 : f32 to vector<1024x2xf32>
    %neg3A_109 = arith.subf %neg3A_108, %slice3A_106 : vector<1024x2xf32>
    %neg3A_110 = arith.constant 0.000000e+00 : f32
    %neg3A_111 = vector.broadcast %neg3A_110 : f32 to vector<1024x2xf32>
    %neg3A_112 = arith.subf %neg3A_111, %neg3A_109 : vector<1024x2xf32>
    %custom_jvp_call3A_113 = arith.constant 0.000000e+00 : f32
    %max3A_114 = vector.broadcast %custom_jvp_call3A_113 : f32 to vector<1024x2xf32>
    %max3A_115 = arith.maximumf %neg3A_112, %max3A_114 : vector<1024x2xf32>
    %sub3A_116 = vector.broadcast %custom_jvp_call3A_113 : f32 to vector<1024x2xf32>
    %sub3A_117 = arith.subf %neg3A_112, %sub3A_116 : vector<1024x2xf32>
    %ne3A_118 = arith.cmpf one, %sub3A_117, %sub3A_117 : vector<1024x2xf32>
    %add3A_119 = vector.broadcast %custom_jvp_call3A_113 : f32 to vector<1024x2xf32>
    %add3A_120 = arith.addf %neg3A_112, %add3A_119 : vector<1024x2xf32>
    %abs3A_121 = math.absf %sub3A_117 : vector<1024x2xf32>
    %neg3A_122 = arith.constant 0.000000e+00 : f32
    %neg3A_123 = vector.broadcast %neg3A_122 : f32 to vector<1024x2xf32>
    %neg3A_124 = arith.subf %neg3A_123, %abs3A_121 : vector<1024x2xf32>
    %exp3A_125 = math.exp %neg3A_124 : vector<1024x2xf32>
    %log1p3A_126 = math.log1p %exp3A_125 : vector<1024x2xf32>
    %add3A_127 = arith.addf %max3A_115, %log1p3A_126 : vector<1024x2xf32>
    %select_n3A_128 = arith.select %ne3A_118, %add3A_120, %add3A_127 : vector<1024x2xi1>, vector<1024x2xf32>
    %neg3A_129 = arith.constant 0.000000e+00 : f32
    %neg3A_130 = vector.broadcast %neg3A_129 : f32 to vector<1024x2xf32>
    %neg3A_131 = arith.subf %neg3A_130, %select_n3A_128 : vector<1024x2xf32>
    %reduce_sum3A_132 = vector.shape_cast %neg3A_131 : vector<1024x2xf32> to vector<1x1024x2xf32>
    %reduce_sum3A_133 = arith.constant dense<0.000000e+00> : vector<1xf32>
    %reduce_sum3A_134 = vector.multi_reduction <add>, %reduce_sum3A_132, %reduce_sum3A_133 [1, 2] : vector<1x1024x2xf32> to vector<1xf32>
    %reduce_sum3A_135 = vector.shape_cast %reduce_sum3A_134 : vector<1xf32> to vector<1x1x1xf32>
    %reduce_sum3A_136 = vector.extract %reduce_sum3A_135[0, 0, 0] : f32 from vector<1x1x1xf32>
    %add3A_137 = arith.addf %add3A_96, %reduce_sum3A_136 : f32
    %get3A_138 = arith.constant 3 : index
    %get3A_139 = arith.constant 0 : index
    %get3A_140 = arith.constant 0 : index
    %get3A_141 = vector.load %arg2[%get3A_138, %get3A_139, %get3A_140] : memref<6x1024x128xf32, #tpu.memory_space<vmem>>, vector<1x1024x128xf32>
    %get3A_142 = vector.shape_cast %get3A_141 : vector<1x1024x128xf32> to vector<1024x128xf32>
    %mul3A_143 = arith.mulf %get3A_1, %get3A_142 : vector<1024x128xf32>
    %convert_element_type3A_144 = arith.truncf %mul3A_143 : vector<1024x128xf32> to vector<1024x128xbf16>
    %dot_general3A_145 = arith.constant dense<0.000000e+00> : vector<1024x8xf32>
    %dot_general3A_146 = tpu.matmul %convert_element_type3A_144, %convert_element_type3A_27, %dot_general3A_145 {dimension_numbers = #tpu.dot_dimension_numbers<[1], [0], [0], [1], [0, 0, 1, 1], [], []>, transpose_lhs_hint = false} : vector<1024x128xbf16>, vector<128x8xbf16>, vector<1024x8xf32> -> vector<1024x8xf32>
    %slice3A_147 = vector.extract_strided_slice %dot_general3A_146 {offsets = [0, 0], sizes = [1024, 2], strides = [1, 1]} : vector<1024x8xf32> to vector<1024x2xf32>
    %neg3A_148 = arith.constant 0.000000e+00 : f32
    %neg3A_149 = vector.broadcast %neg3A_148 : f32 to vector<1024x2xf32>
    %neg3A_150 = arith.subf %neg3A_149, %slice3A_147 : vector<1024x2xf32>
    %neg3A_151 = arith.constant 0.000000e+00 : f32
    %neg3A_152 = vector.broadcast %neg3A_151 : f32 to vector<1024x2xf32>
    %neg3A_153 = arith.subf %neg3A_152, %neg3A_150 : vector<1024x2xf32>
    %custom_jvp_call3A_154 = arith.constant 0.000000e+00 : f32
    %max3A_155 = vector.broadcast %custom_jvp_call3A_154 : f32 to vector<1024x2xf32>
    %max3A_156 = arith.maximumf %neg3A_153, %max3A_155 : vector<1024x2xf32>
    %sub3A_157 = vector.broadcast %custom_jvp_call3A_154 : f32 to vector<1024x2xf32>
    %sub3A_158 = arith.subf %neg3A_153, %sub3A_157 : vector<1024x2xf32>
    %ne3A_159 = arith.cmpf one, %sub3A_158, %sub3A_158 : vector<1024x2xf32>
    %add3A_160 = vector.broadcast %custom_jvp_call3A_154 : f32 to vector<1024x2xf32>
    %add3A_161 = arith.addf %neg3A_153, %add3A_160 : vector<1024x2xf32>
    %abs3A_162 = math.absf %sub3A_158 : vector<1024x2xf32>
    %neg3A_163 = arith.constant 0.000000e+00 : f32
    %neg3A_164 = vector.broadcast %neg3A_163 : f32 to vector<1024x2xf32>
    %neg3A_165 = arith.subf %neg3A_164, %abs3A_162 : vector<1024x2xf32>
    %exp3A_166 = math.exp %neg3A_165 : vector<1024x2xf32>
    %log1p3A_167 = math.log1p %exp3A_166 : vector<1024x2xf32>
    %add3A_168 = arith.addf %max3A_156, %log1p3A_167 : vector<1024x2xf32>
    %select_n3A_169 = arith.select %ne3A_159, %add3A_161, %add3A_168 : vector<1024x2xi1>, vector<1024x2xf32>
    %neg3A_170 = arith.constant 0.000000e+00 : f32
    %neg3A_171 = vector.broadcast %neg3A_170 : f32 to vector<1024x2xf32>
    %neg3A_172 = arith.subf %neg3A_171, %select_n3A_169 : vector<1024x2xf32>
    %reduce_sum3A_173 = vector.shape_cast %neg3A_172 : vector<1024x2xf32> to vector<1x1024x2xf32>
    %reduce_sum3A_174 = arith.constant dense<0.000000e+00> : vector<1xf32>
    %reduce_sum3A_175 = vector.multi_reduction <add>, %reduce_sum3A_173, %reduce_sum3A_174 [1, 2] : vector<1x1024x2xf32> to vector<1xf32>
    %reduce_sum3A_176 = vector.shape_cast %reduce_sum3A_175 : vector<1xf32> to vector<1x1x1xf32>
    %reduce_sum3A_177 = vector.extract %reduce_sum3A_176[0, 0, 0] : f32 from vector<1x1x1xf32>
    %add3A_178 = arith.addf %add3A_137, %reduce_sum3A_177 : f32
    %get3A_179 = arith.constant 4 : index
    %get3A_180 = arith.constant 0 : index
    %get3A_181 = arith.constant 0 : index
    %get3A_182 = vector.load %arg2[%get3A_179, %get3A_180, %get3A_181] : memref<6x1024x128xf32, #tpu.memory_space<vmem>>, vector<1x1024x128xf32>
    %get3A_183 = vector.shape_cast %get3A_182 : vector<1x1024x128xf32> to vector<1024x128xf32>
    %mul3A_184 = arith.mulf %get3A_1, %get3A_183 : vector<1024x128xf32>
    %convert_element_type3A_185 = arith.truncf %mul3A_184 : vector<1024x128xf32> to vector<1024x128xbf16>
    %dot_general3A_186 = arith.constant dense<0.000000e+00> : vector<1024x8xf32>
    %dot_general3A_187 = tpu.matmul %convert_element_type3A_185, %convert_element_type3A_27, %dot_general3A_186 {dimension_numbers = #tpu.dot_dimension_numbers<[1], [0], [0], [1], [0, 0, 1, 1], [], []>, transpose_lhs_hint = false} : vector<1024x128xbf16>, vector<128x8xbf16>, vector<1024x8xf32> -> vector<1024x8xf32>
    %slice3A_188 = vector.extract_strided_slice %dot_general3A_187 {offsets = [0, 0], sizes = [1024, 2], strides = [1, 1]} : vector<1024x8xf32> to vector<1024x2xf32>
    %neg3A_189 = arith.constant 0.000000e+00 : f32
    %neg3A_190 = vector.broadcast %neg3A_189 : f32 to vector<1024x2xf32>
    %neg3A_191 = arith.subf %neg3A_190, %slice3A_188 : vector<1024x2xf32>
    %neg3A_192 = arith.constant 0.000000e+00 : f32
    %neg3A_193 = vector.broadcast %neg3A_192 : f32 to vector<1024x2xf32>
    %neg3A_194 = arith.subf %neg3A_193, %neg3A_191 : vector<1024x2xf32>
    %custom_jvp_call3A_195 = arith.constant 0.000000e+00 : f32
    %max3A_196 = vector.broadcast %custom_jvp_call3A_195 : f32 to vector<1024x2xf32>
    %max3A_197 = arith.maximumf %neg3A_194, %max3A_196 : vector<1024x2xf32>
    %sub3A_198 = vector.broadcast %custom_jvp_call3A_195 : f32 to vector<1024x2xf32>
    %sub3A_199 = arith.subf %neg3A_194, %sub3A_198 : vector<1024x2xf32>
    %ne3A_200 = arith.cmpf one, %sub3A_199, %sub3A_199 : vector<1024x2xf32>
    %add3A_201 = vector.broadcast %custom_jvp_call3A_195 : f32 to vector<1024x2xf32>
    %add3A_202 = arith.addf %neg3A_194, %add3A_201 : vector<1024x2xf32>
    %abs3A_203 = math.absf %sub3A_199 : vector<1024x2xf32>
    %neg3A_204 = arith.constant 0.000000e+00 : f32
    %neg3A_205 = vector.broadcast %neg3A_204 : f32 to vector<1024x2xf32>
    %neg3A_206 = arith.subf %neg3A_205, %abs3A_203 : vector<1024x2xf32>
    %exp3A_207 = math.exp %neg3A_206 : vector<1024x2xf32>
    %log1p3A_208 = math.log1p %exp3A_207 : vector<1024x2xf32>
    %add3A_209 = arith.addf %max3A_197, %log1p3A_208 : vector<1024x2xf32>
    %select_n3A_210 = arith.select %ne3A_200, %add3A_202, %add3A_209 : vector<1024x2xi1>, vector<1024x2xf32>
    %neg3A_211 = arith.constant 0.000000e+00 : f32
    %neg3A_212 = vector.broadcast %neg3A_211 : f32 to vector<1024x2xf32>
    %neg3A_213 = arith.subf %neg3A_212, %select_n3A_210 : vector<1024x2xf32>
    %reduce_sum3A_214 = vector.shape_cast %neg3A_213 : vector<1024x2xf32> to vector<1x1024x2xf32>
    %reduce_sum3A_215 = arith.constant dense<0.000000e+00> : vector<1xf32>
    %reduce_sum3A_216 = vector.multi_reduction <add>, %reduce_sum3A_214, %reduce_sum3A_215 [1, 2] : vector<1x1024x2xf32> to vector<1xf32>
    %reduce_sum3A_217 = vector.shape_cast %reduce_sum3A_216 : vector<1xf32> to vector<1x1x1xf32>
    %reduce_sum3A_218 = vector.extract %reduce_sum3A_217[0, 0, 0] : f32 from vector<1x1x1xf32>
    %add3A_219 = arith.addf %add3A_178, %reduce_sum3A_218 : f32
    %get3A_220 = arith.constant 5 : index
    %get3A_221 = arith.constant 0 : index
    %get3A_222 = arith.constant 0 : index
    %get3A_223 = vector.load %arg2[%get3A_220, %get3A_221, %get3A_222] : memref<6x1024x128xf32, #tpu.memory_space<vmem>>, vector<1x1024x128xf32>
    %get3A_224 = vector.shape_cast %get3A_223 : vector<1x1024x128xf32> to vector<1024x128xf32>
    %mul3A_225 = arith.mulf %get3A_1, %get3A_224 : vector<1024x128xf32>
    %convert_element_type3A_226 = arith.truncf %mul3A_225 : vector<1024x128xf32> to vector<1024x128xbf16>
    %dot_general3A_227 = arith.constant dense<0.000000e+00> : vector<1024x8xf32>
    %dot_general3A_228 = tpu.matmul %convert_element_type3A_226, %convert_element_type3A_27, %dot_general3A_227 {dimension_numbers = #tpu.dot_dimension_numbers<[1], [0], [0], [1], [0, 0, 1, 1], [], []>, transpose_lhs_hint = false} : vector<1024x128xbf16>, vector<128x8xbf16>, vector<1024x8xf32> -> vector<1024x8xf32>
    %slice3A_229 = vector.extract_strided_slice %dot_general3A_228 {offsets = [0, 0], sizes = [1024, 2], strides = [1, 1]} : vector<1024x8xf32> to vector<1024x2xf32>
    %neg3A_230 = arith.constant 0.000000e+00 : f32
    %neg3A_231 = vector.broadcast %neg3A_230 : f32 to vector<1024x2xf32>
    %neg3A_232 = arith.subf %neg3A_231, %slice3A_229 : vector<1024x2xf32>
    %neg3A_233 = arith.constant 0.000000e+00 : f32
    %neg3A_234 = vector.broadcast %neg3A_233 : f32 to vector<1024x2xf32>
    %neg3A_235 = arith.subf %neg3A_234, %neg3A_232 : vector<1024x2xf32>
    %custom_jvp_call3A_236 = arith.constant 0.000000e+00 : f32
    %max3A_237 = vector.broadcast %custom_jvp_call3A_236 : f32 to vector<1024x2xf32>
    %max3A_238 = arith.maximumf %neg3A_235, %max3A_237 : vector<1024x2xf32>
    %sub3A_239 = vector.broadcast %custom_jvp_call3A_236 : f32 to vector<1024x2xf32>
    %sub3A_240 = arith.subf %neg3A_235, %sub3A_239 : vector<1024x2xf32>
    %ne3A_241 = arith.cmpf one, %sub3A_240, %sub3A_240 : vector<1024x2xf32>
    %add3A_242 = vector.broadcast %custom_jvp_call3A_236 : f32 to vector<1024x2xf32>
    %add3A_243 = arith.addf %neg3A_235, %add3A_242 : vector<1024x2xf32>
    %abs3A_244 = math.absf %sub3A_240 : vector<1024x2xf32>
    %neg3A_245 = arith.constant 0.000000e+00 : f32
    %neg3A_246 = vector.broadcast %neg3A_245 : f32 to vector<1024x2xf32>
    %neg3A_247 = arith.subf %neg3A_246, %abs3A_244 : vector<1024x2xf32>
    %exp3A_248 = math.exp %neg3A_247 : vector<1024x2xf32>
    %log1p3A_249 = math.log1p %exp3A_248 : vector<1024x2xf32>
    %add3A_250 = arith.addf %max3A_238, %log1p3A_249 : vector<1024x2xf32>
    %select_n3A_251 = arith.select %ne3A_241, %add3A_243, %add3A_250 : vector<1024x2xi1>, vector<1024x2xf32>
    %neg3A_252 = arith.constant 0.000000e+00 : f32
    %neg3A_253 = vector.broadcast %neg3A_252 : f32 to vector<1024x2xf32>
    %neg3A_254 = arith.subf %neg3A_253, %select_n3A_251 : vector<1024x2xf32>
    %reduce_sum3A_255 = vector.shape_cast %neg3A_254 : vector<1024x2xf32> to vector<1x1024x2xf32>
    %reduce_sum3A_256 = arith.constant dense<0.000000e+00> : vector<1xf32>
    %reduce_sum3A_257 = vector.multi_reduction <add>, %reduce_sum3A_255, %reduce_sum3A_256 [1, 2] : vector<1x1024x2xf32> to vector<1xf32>
    %reduce_sum3A_258 = vector.shape_cast %reduce_sum3A_257 : vector<1xf32> to vector<1x1x1xf32>
    %reduce_sum3A_259 = vector.extract %reduce_sum3A_258[0, 0, 0] : f32 from vector<1x1x1xf32>
    %add3A_260 = arith.addf %add3A_219, %reduce_sum3A_259 : f32
    %swap3A = arith.constant 0 : index
    %swap3A_261 = arith.constant 0 : index
    %swap3A_262 = arith.constant 0 : index
    %swap3A_263 = memref.load %arg3[%swap3A, %swap3A_261, %swap3A_262] : memref<1x1x1xf32, #tpu.memory_space<smem>>
    memref.store %add3A_260, %arg3[%swap3A, %swap3A_261, %swap3A_262] : memref<1x1x1xf32, #tpu.memory_space<smem>>
    return
  }
  func.func @transform_0(%arg0: i32) -> (i32, i32) {
    %c0_i32 = arith.constant 0 : i32
    %c0_i32_0 = arith.constant 0 : i32
    return %arg0, %c0_i32 : i32, i32
  }
  func.func @transform_1(%arg0: i32) -> (i32, i32, i32) {
    %c0_i32 = arith.constant 0 : i32
    %c0_i32_0 = arith.constant 0 : i32
    %c0_i32_1 = arith.constant 0 : i32
    return %c0_i32, %arg0, %c0_i32_0 : i32, i32, i32
  }
  func.func @transform_2(%arg0: i32) -> (i32, i32, i32) {
    %c0_i32 = arith.constant 0 : i32
    %c0_i32_0 = arith.constant 0 : i32
    %c0_i32_1 = arith.constant 0 : i32
    return %arg0, %c0_i32, %c0_i32_0 : i32, i32, i32
  }
}

</mosaic_0001>

<sc_bundles>
// kernel: kernel.10.cloned.1.call-start
scs
__scs_entry_jumppad:
0x0: {  	(pc) =	sbr.rel $0x88, $3  }
0x1: {  	(tag) =	ssettag $0x0;
	lr =	simm.s32 $0x1  }
0x2: {  	[smem:$0x3F9B] =	sst lr;
	_ =	strace $0xD0000000  }
0x3: {  	_ = 	snop  }
0x4: {  	_ = 	snop  }
0x5: {  	_ = 	snop  }
0x6: {  	_ = 	snop  }
0x7: {  	_ = 	snop  }
__scs_overlays_trampoline_lowered:
0x8: {  	[smem:$0x3FAA] =	sst s0  }
0x9: {  	[smem:$0x3FAB] =	sst s1  }
0xa: {  	[smem:$0x3FAC] =	sst s2  }
0xb: {  	[smem:$0x3FAD] =	sst s3  }
0xc: {  	[smem:$0x3FAE] =	sst s4  }
0xd: {  	[smem:$0x3FAF] =	sst s5  }
0xe: {  	[smem:$0x3FB0] =	sst s6  }
0xf: {  	[smem:$0x3FB1] =	sst s7  }
0x10: {  	[smem:$0x3FB2] =	sst s8  }
0x11: {  	[smem:$0x3FB3] =	sst s9;
	s0 =	simm.s32 @!p0 $0x0  }
0x12: {  	s1 =	sld [smem:$0x3F99];
	s0 =	simm.s32 @p0 $0x1  }
0x13: {  	[smem:$0x3FB4] =	sst s0;
	s0 =	simm.s32 @!p1 $0x0  }
0x14: {  	s2 =	sld [smem:$0x3F98];
	s0 =	simm.s32 @p1 $0x1  }
0x15: {  	[smem:$0x3FB5] =	sst s0;
	s0 =	simm.s32 @!p2 $0x0  }
0x16: {  	s3 =	sld [smem:$0x3FDB];
	s0 =	simm.s32 @p2 $0x1  }
0x17: {  	s4 =	simm.s32 $0x1BF5;
	[smem:$0x3FB7] =	sst s0  }
0x18: {  	s0 =	sld [smem:$0x3F9A];
	_ =	swait.ge [sflag:s4], $0x0  }
0x19: {  	s7 =	sld [smem:$0x3F9B]  }
0x1a: {  	s8 =	sadd.s32 $0xFFFFE003, lr  }
0x1b: {  	s9 =	sadd.s32 $0xFFFFFEF7, lr;
	s5 =	simm.s32 $0xFFFFFFFF;
	p2 =	slt.u32 s8, $0xFFFFF086  }
0x1c: {  	p1 =	slt.u32 s9, $0xF7A;
	s5 =	simm.s32 @!p2 $0x0  }
0x1d: {  	s5 =	simm.s32 @p1 $0x1;
	p0 =	seq.s32 s7, s2  }
0x1e: {  	s7 =	smul.u32 @!p0 $0xF7A, s2;
	p2 =	seq.s32 @!p0 s5, $0x0  }
0x1f: {  	s9 =	smul.u32 $0xF7A, s1;
	s8 =	simm.s32 @!p0 $0x1BF5;
	p2 =	por !p2, p0  }
0x20: {  	[sflag:s8] =	ssyncset.s32 @!p0 $0xFFFFF086;
	s6 =	sadd.s32 @!p0 s3, s7;
	s7 =	simm.s32 @!p0 $0x108  }
0x21: {  	s3 =	sadd.s32 s3, s9;
	s6 =	sadd.s32 @!p0 $0x88, s6;
	s7 =	simm.s32 @p2 $0x1082  }
0x22: {  	[simem:s7], [sflag:s8] =	dma.local @!p0 [hbm:s6], $0xF7A  }
0x23: {  	s9 =	sor.u32 $0xD0000000, s2;
	s6 =	simm.s32 $0x108;
	_ =	swait.ge @!p0 [sflag:s8], $0x0  }
0x24: {  	s3 =	sadd.s32 $0x88, s3;
	s6 =	simm.s32 @!p1 $0x1082;
	[sflag:s4] =	ssyncset.s32 $0xFFFFF086  }
0x25: {  	[simem:s6], [sflag:s4] =	dma.local [hbm:s3], $0xF7A  }
0x26: {  	[smem:$0x3F9B] =	sst s1;
	(tag) =	ssettag s2;
	_ =	strace s9  }
0x27: {  	s1 =	sld [smem:$0x3FAB]  }
0x28: {  	s2 =	sld [smem:$0x3FAC]  }
0x29: {  	s4 =	sld [smem:$0x3FAE]  }
0x2a: {  	p0 =	seq.s32 s5, $0x0;
	s5 =	sld [smem:$0x3FAF]  }
0x2b: {  	s6 =	sld [smem:$0x3FB0]  }
0x2c: {  	s7 =	sld [smem:$0x3FB1]  }
0x2d: {  	s3 =	simm.s32 $0x108;
	s8 =	sld [smem:$0x3FB2]  }
0x2e: {  	s3 =	simm.s32 @!p0 $0x1082;
	s9 =	sld [smem:$0x3FB3]  }
0x2f: {  	lr =	sadd.s32 s0, s3;
	s0 =	sld [smem:$0x3FAA]  }
0x30: {  	s3 =	sld [smem:$0x3FAD]  }
0x31: {  	[smem:$0x3FB6] =	sst s10  }
0x32: {  	s10 =	sld [smem:$0x3FB4];
	_ =	sdelay $0x3  }
0x33: {  	p0 =	seq.s32 s10, $0x1;
	s10 =	sld [smem:$0x3FB6];
	_ =	sdelay $0x3  }
0x34: {  	[smem:$0x3FB6] =	sst s10  }
0x35: {  	s10 =	sld [smem:$0x3FB5];
	_ =	sdelay $0x3  }
0x36: {  	p1 =	seq.s32 s10, $0x1;
	s10 =	sld [smem:$0x3FB6];
	_ =	sdelay $0x3  }
0x37: {  	[smem:$0x3FB6] =	sst s10  }
0x38: {  	s10 =	sld [smem:$0x3FB7]  }
0x39: {  	_ = 	snop;
	(pc) =	sbr.ind lr, $3  }
0x3a: {  	_ = 	snop  }
0x3b: {  	_ = 	snop  }
0x3c: {  	p2 =	seq.s32 s10, $0x1;
	s10 =	sld [smem:$0x3FB6]  }
0x3d: {  	_ =	shalt  }
0x3e: {  	_ =	shalt  }
0x3f: {  	_ =	shalt  }
0x40: {  	_ =	shalt  }
0x41: {  	_ =	shalt  }
0x42: {  	_ =	shalt  }
0x43: {  	_ =	shalt  }
0x44: {  	_ =	shalt  }
0x45: {  	_ =	shalt  }
0x46: {  	_ =	shalt  }
0x47: {  	_ =	shalt  }
0x48: {  	_ =	shalt  }
0x49: {  	_ =	shalt  }
0x4a: {  	_ =	shalt  }
0x4b: {  	_ =	shalt  }
0x4c: {  	_ =	shalt  }
0x4d: {  	_ =	shalt  }
0x4e: {  	_ =	shalt  }
0x4f: {  	_ =	shalt  }
0x50: {  	_ =	shalt  }
0x51: {  	_ =	shalt  }
0x52: {  	_ =	shalt  }
0x53: {  	_ =	shalt  }
0x54: {  	_ =	shalt  }
0x55: {  	_ =	shalt  }
0x56: {  	_ =	shalt  }
0x57: {  	_ =	shalt  }
0x58: {  	_ =	shalt  }
0x59: {  	_ =	shalt  }
0x5a: {  	_ =	shalt  }
0x5b: {  	_ =	shalt  }
0x5c: {  	_ =	shalt  }
0x5d: {  	_ =	shalt  }
0x5e: {  	_ =	shalt  }
0x5f: {  	_ =	shalt  }
0x60: {  	_ =	shalt  }
0x61: {  	_ =	shalt  }
0x62: {  	_ =	shalt  }
0x63: {  	_ =	shalt  }
0x64: {  	_ =	shalt  }
0x65: {  	_ =	shalt  }
0x66: {  	_ =	shalt  }
0x67: {  	_ =	shalt  }
0x68: {  	_ =	shalt  }
0x69: {  	_ =	shalt  }
0x6a: {  	_ =	shalt  }
0x6b: {  	_ =	shalt  }
0x6c: {  	_ =	shalt  }
0x6d: {  	_ =	shalt  }
0x6e: {  	_ =	shalt  }
0x6f: {  	_ =	shalt  }
0x70: {  	_ =	shalt  }
0x71: {  	_ =	shalt  }
0x72: {  	_ =	shalt  }
0x73: {  	_ =	shalt  }
0x74: {  	_ =	shalt  }
0x75: {  	_ =	shalt  }
0x76: {  	_ =	shalt  }
0x77: {  	_ =	shalt  }
0x78: {  	_ =	shalt  }
0x79: {  	_ =	shalt  }
0x7a: {  	_ =	shalt  }
0x7b: {  	_ =	shalt  }
0x7c: {  	_ =	shalt  }
0x7d: {  	_ =	shalt  }
0x7e: {  	_ =	shalt  }
0x7f: {  	_ =	shalt  }
0x80: {  	_ =	shalt  }
0x81: {  	_ =	shalt  }
0x82: {  	_ =	shalt  }
0x83: {  	_ =	shalt  }
0x84: {  	_ =	shalt  }
0x85: {  	_ =	shalt  }
0x86: {  	_ =	shalt  }
0x87: {  	_ =	shalt  }
.Lfunc_end0:
.L_simem_size_0:
called_computation.1_lowered:
.L_overlay_start_0:
0x88: {  	s2 =	sld [smem:$0x3FD9]  }
0x89: {  	s3 =	sld [smem:$0x3FFE];
	_ =	sdelay $0x1  }
0x8a: {  	s1 =	srdreg.scid  }
0x8b: {  	s0 =	sand.u32 $0x1, s1  }
0x8c: {  	s17 =	sshll.u32 s0, $0xA;
	s2 =	sadd.s32 s3, s2  }
0x8d: {  	s2 =	sadd.s32 s2, s17  }
0x8e: {  	[smem:$0x3FC2] =	sst s2  }
0x8f: {  	_ = 	snop  }
0x90: {  	(tm) =	ssettm $0x1  }
0x91: {  	s18 =	sld [smem:$0x3FFB];
	_ =	sdelay $0x3  }
0x92: {  	_ =	strace s18  }
0x93: {  	s2 =	sld [smem:$0x3FFC];
	_ =	sdelay $0x3  }
0x94: {  	_ =	strace s2  }
0x95: {  	s2 =	sld [smem:$0x3FFD];
	_ =	sdelay $0x3  }
0x96: {  	_ =	strace s2  }
0x97: {  	_ =	strace $0x8FFFFFFF  }
0x98: {  	s19 =	sld [smem:$0x3FDB];
	_ =	sdelay $0x1  }
0x99: {  	s20 =	simm.s32 $_scs_section_size  }
0x9a: {  	s4 =	simm.s32 $_size__tile_overlayer_lowered;
	s5 =	simm.s32 $_tile_overlayer_lowered  }
0x9b: {  	s6 =	simm.s32 $0x1BFF;
	s21 =	sshll.u32 s5, $0x1;
	s3 =	sadd.s32 s20, s19  }
0x9c: {  	s22 =	simm.s32 $0x0;
	s4 =	sshll.u32 s4, $0x1;
	s5 =	sadd.s32 s21, s3  }
0x9d: {  	[timem:s22], [sflag:s6] =	dma.local [hbm:s5], s4  }
0x9e: {  	_ =	swait.ge [sflag:s6], s4  }
0x9f: {  	s4 =	ssub.s32 $0x0, s4;
	[sflag:s6] =	ssyncset.done $0x0  }
0xa0: {  	[sflag:s6] =	ssyncadd.s32 s4;
	_ =	sdelay $0x1  }
0xa1: {  	s23 =	simm.s32 $0x1B8B  }
0xa2: {  	_ =	swait.ge [sflag:s23], $0x1  }
0xa3: {  	[sflag:s23] =	ssyncset.done $0x0  }
0xa4: {  	[sflag:s23] =	ssyncadd.s32 $0xFFFFFFFF  }
0xa5: {  	s4 =	sld [smem:$0x0]  }
0xa6: {  	s5 =	sand.u32 $0xFFFFFFFE, s1  }
0xa7: {  	p0 =	sne.s32 s1, s5  }
0xa8: {  	s5 =	sshll.u32 @p0 s5, $0xE  }
0xa9: {  	s5 =	sadd.s32 @p0 $0x11B8D, s5;
	s6 =	sshll.u32 @p0 s4, $0x11  }
0xaa: {  	s5 =	sor.u32 @p0 s6, s5  }
0xab: {  	[sflag:s5] =	ssyncadd.remote.s32 @p0 $0x1;
	_ =	sdelay $0x1  }
0xac: {  	s5 =	simm.s32 @p0 $0x1B8D  }
0xad: {  	_ =	swait.eq @p0 [sflag:s5], $0x1  }
0xae: {  	[sflag:s5] =	ssyncadd.s32 @p0 $0xFFFFFFFF  }
0xaf: {  	s6 =	sshll.u32 @!p0 s1, $0xE  }
0xb0: {  	s6 =	sor.u32 @!p0 $0x4000, s6;
	s5 =	simm.s32 @!p0 $0x1B8D  }
0xb1: {  	s4 =	sshll.u32 @!p0 s4, $0x11;
	s6 =	sadd.s32 @!p0 $0x11B8D, s6;
	_ =	swait.eq @!p0 [sflag:s5], $0x1  }
0xb2: {  	s4 =	sor.u32 @!p0 s4, s6;
	[sflag:s5] =	ssyncadd.s32 @!p0 $0xFFFFFFFF  }
0xb3: {  	s25 =	simm.s32 $0x1B8E;
	s24 =	sld [smem:$0x3FFE];
	[sflag:s4] =	ssyncadd.remote.s32 @!p0 $0x1  }
0xb4: {  	s26 =	simm.s32 $execute0_lowered;
	[smem:$0x3FD2] =	sst s25  }
0xb5: {  	s5 =	sshll.u32 s26, $0x1;
	_ =	strace $0x80000049;
	[dreg:$0x1] =	wrdreg $0xFFFFFFFF  }
0xb6: {  	s28 =	simm.s32 $_size_execute0_lowered;
	s3 =	sadd.s32 s3, s5;
	[dreg:$0x0] =	wrdreg $0x0  }
0xb7: {  	s5 =	sshll.u32 s28, $0x1;
	[dreg:$0x2] =	wrdreg s3  }
0xb8: {  	[dreg:$0x3] =	wrdreg s5  }
0xb9: {  	[dreg:$0x4] =	wrdreg $0xC0  }
0xba: {  	_ =	task [dreg:s22], $0x5FFFF  }
0xbb: {  	[dreg:$0x1] =	wrdreg $0xFFFFFFFF  }
0xbc: {  	[dreg:$0x0] =	wrdreg $0x60  }
0xbd: {  	[dreg:$0x2] =	wrdreg s24  }
0xbe: {  	[dreg:$0x3] =	wrdreg $0xA  }
0xbf: {  	_ =	task.clear_ibuf [dreg:s22], $0x4FFFF;
	_ =	strace $0x90000049  }
0xc0: {  	s29 =	simm.s32 $0xA;
	_ =	strace $0x8000004B  }
0xc1: {  	_ =	swait.ge [sflag:s29], $0x1  }
0xc2: {  	[sflag:s29] =	ssyncadd.s32 $0xFFFFFFFF  }
0xc3: {  	_ =	strace $0x9000004B  }
0xc4: {  	_ =	sfence  }
0xc5: {  	s30 =	sld [smem:$0x0];
	_ =	sdelay $0x2  }
0xc6: {  	s31 =	sshll.u32 s1, $0xD;
	s1 =	sshrl.u32 s1, $0x2  }
0xc7: {  	s4 =	sand.u32 $0x4000, s31;
	s1 =	sadd.s32 s1, s30  }
0xc8: {  	s0 =	sor.u32 s4, s0;
	s1 =	sshll.u32 s1, $0x11  }
0xc9: {  	s0 =	sor.u32 s1, s0  }
0xca: {  	s0 =	sadd.s32 $0x8F2B, s0  }
0xcb: {  	[sflag:s0] =	ssyncadd.remote.s32 $0x1  }
0xcc: {  	_ =	sfence.sel $0xFFFF  }
0xcd: {  	[dreg:$0x0] =	wrdreg $0xFFFFFFFF;
	(pc) =	sbr.abs _section_cstart, $3  }
0xce: {  	[dreg:$0x1] =	wrdreg $0xFFFFFFFF  }
0xcf: {  	_ =	task.clear_ibuf [dreg:s22], $0x2FFFF;
	_ =	strace $0x9FFFFFFF  }
0xd0: {  	(tm) =	ssettm $0x7FFFFFFF  }
0xd1: {  	_ =	shalt  }
tec
execute0_lowered:
.L_overlay_start_1:
0x0: {  	(tag) =	ssettag $0x1  }
0x1: {  	s1 =	srdreg.scid  }
0x2: {  	s0 =	stileid.u32;
	s16 =	sand.u32 $0x1, s1  }
0x3: {  	s30 =	sshll.u32 s0, $0x3;
	s2 =	sshll.u32 s16, $0x2  }
0x4: {  	s9 =	sor.u32 s2, s30  }
0x5: {  	s12 =	rddreg [dreg:$0x0];
	s2 =	simm.s32 $0x0;
	s3 =	sshll.u32 s9, $0x4  }
0x6: {  	s4 =	simm.s32 $0x3;
	[smem:$0x7FF] =	sst s2;
	s3 =	sadd.s32 s3, s12  }
0x7: {  	s1 =	rddreg [dreg:$0x1];
	_ =	strace $0x8000004A;
	s3 =	sadd.s32 $0x55B800, s3  }
0x8: {  	[tilespmem:s2], [sflag:$0x3] =	stream.linear.gather [hbm4b:s3+s2], $0x200, $0x38;
	[tilespmem:$0x4200] =	vst v63  }
0x9: {  	_ =	swait.ge [sflag:s4], $0x200  }
0xa: {  	s6 =	simm.s32 $0x80;
	s7 =	simm.s32 $0x200;
	[sflag:s4] =	ssyncset.done $0x0  }
0xb: {  	s8 =	simm.s32 $0x1;
	s5 =	sadd.s32 $0x187800, s12;
	[sflag:s4] =	ssyncadd.s32 $0xFFFFFE00  }
0xc: {  	[tilespmem:s7], [sflag:$0x1] =	stream.indirect.gather [hbm4b:s5+s6], $0x40, s2, s6, $0xb8;
	[tilespmem:$0x4200] =	vst v63  }
0xd: {  	_ =	swait.ge [sflag:s8], $0x2000  }
0xe: {  	s14 =	sadd.s32 $0x55C000, s12;
	s15 =	sshll.u32 s9, $0xA;
	[sflag:s8] =	ssyncset.done $0x0  }
0xf: {  	s9 =	sadd.s32 s14, s15;
	[sflag:s8] =	ssyncadd.s32 $0xFFFFE000  }
0x10: {  	[hbm4b:s9+s2] =	stream.linear.scatter [tilespmem:s7], [sflag:$0x1], $0x2000, $0x38;
	[tilespmem:$0x4200] =	vst v63  }
0x11: {  	s11 =	simm.s32 $0x2200;
	s10 =	simm.s32 $0x2  }
0x12: {  	[tilespmem:s11], [sflag:$0x2] =	stream.indirect.gather [hbm4b:s5+s6], $0x40, s6, s6, $0xb8;
	[tilespmem:$0x4200] =	vst v63  }
0x13: {  	_ =	swait.ge [sflag:s10], $0x2000  }
0x14: {  	s17 =	sadd.s32 $0x55C400, s12;
	[sflag:s10] =	ssyncset.done $0x0  }
0x15: {  	s12 =	sadd.s32 s15, s17;
	[sflag:s10] =	ssyncadd.s32 $0xFFFFE000  }
0x16: {  	[hbm4b:s12+s2] =	stream.linear.scatter [tilespmem:s11], [sflag:$0x2], $0x2000, $0x38;
	[tilespmem:$0x4200] =	vst v63  }
0x17: {  	_ =	swait.ge [sflag:s8], $0x2000  }
0x18: {  	[sflag:s8] =	ssyncset.done $0x0  }
0x19: {  	[sflag:s8] =	ssyncadd.s32 $0xFFFFE000  }
0x1a: {  	_ =	swait.ge [sflag:s10], $0x2000  }
0x1b: {  	[sflag:s10] =	ssyncset.done $0x0  }
0x1c: {  	s13 =	simm.s32 $0x100;
	[sflag:s10] =	ssyncadd.s32 $0xFFFFE000  }
0x1d: {  	[tilespmem:s7], [sflag:$0x1] =	stream.indirect.gather [hbm4b:s5+s6], $0x40, s13, s6, $0xb8;
	[tilespmem:$0x4200] =	vst v63  }
0x1e: {  	_ =	swait.ge [sflag:s8], $0x2000  }
0x1f: {  	s18 =	sor.u32 $0x800, s15;
	[sflag:s8] =	ssyncset.done $0x0  }
0x20: {  	s19 =	ssub.s32 $0x2, s16;
	s14 =	sadd.s32 s14, s18;
	[sflag:s8] =	ssyncadd.s32 $0xFFFFE000  }
0x21: {  	[hbm4b:s14+s2] =	stream.linear.scatter [tilespmem:s7], [sflag:$0x1], $0x2000, $0x38;
	[tilespmem:$0x4200] =	vst v63  }
0x22: {  	s31 =	sshrl.u32 s19, $0x1;
	s15 =	simm.s32 $0x180  }
0x23: {  	[tilespmem:s11], [sflag:$0x2] =	stream.indirect.gather [hbm4b:s5+s6], $0x40, s15, s6, $0xb8;
	[tilespmem:$0x4200] =	vst v63  }
0x24: {  	s16 =	sadd.s32 s18, s17;
	s17 =	ssub.s32 s19, s31;
	_ =	swait.ge [sflag:s10], $0x2000  }
0x25: {  	s17 =	smax.u32 s17, $0x1;
	[sflag:s10] =	ssyncset.done $0x0  }
0x26: {  	p0 =	sne.s32 s17, $0x1;
	[sflag:s10] =	ssyncadd.s32 $0xFFFFE000  }
0x27: {  	[hbm4b:s16+s2] =	stream.linear.scatter [tilespmem:s11], [sflag:$0x2], $0x2000, $0x38;
	[tilespmem:$0x4200] =	vst v63  }
.Ltmp0:
0x28: {  	_ =	swait.ge [sflag:s8], $0x2000;
	(pc) =	sbr.rel @!p0 .LBB2_2-.Ltmp0, $4  }
0x29: {  	[sflag:s8] =	ssyncset.done $0x0  }
0x2a: {  	[sflag:s8] =	ssyncadd.s32 $0xFFFFE000  }
0x2b: {  	_ =	swait.ge [sflag:s10], $0x2000  }
0x2c: {  	s17 =	sadd.s32 $0xFFFFFFFF, s17;
	[sflag:s10] =	ssyncset.done $0x0  }
.LBB2_1:
0x2d: {  	p0 =	sne.s32 s17, $0x1;
	s17 =	sadd.s32 $0xFFFFFFFF, s17;
	[sflag:s10] =	ssyncadd.s32 $0xFFFFE000  }
0x2e: {  	[tilespmem:s2], [sflag:$0x3] =	stream.linear.gather [hbm4b:s3+s2], $0x200, $0x38;
	[tilespmem:$0x4200] =	vst v63  }
0x2f: {  	_ =	swait.ge [sflag:s4], $0x200  }
0x30: {  	[sflag:s4] =	ssyncset.done $0x0  }
0x31: {  	[sflag:s4] =	ssyncadd.s32 $0xFFFFFE00  }
0x32: {  	[tilespmem:s7], [sflag:$0x1] =	stream.indirect.gather [hbm4b:s5+s6], $0x40, s2, s6, $0xb8;
	[tilespmem:$0x4200] =	vst v63  }
0x33: {  	_ =	swait.ge [sflag:s8], $0x2000  }
0x34: {  	[sflag:s8] =	ssyncset.done $0x0  }
0x35: {  	[sflag:s8] =	ssyncadd.s32 $0xFFFFE000  }
0x36: {  	[hbm4b:s9+s2] =	stream.linear.scatter [tilespmem:s7], [sflag:$0x1], $0x2000, $0x38;
	[tilespmem:$0x4200] =	vst v63  }
0x37: {  	_ = 	snop  }
0x38: {  	[tilespmem:s11], [sflag:$0x2] =	stream.indirect.gather [hbm4b:s5+s6], $0x40, s6, s6, $0xb8;
	[tilespmem:$0x4200] =	vst v63  }
0x39: {  	_ =	swait.ge [sflag:s10], $0x2000  }
0x3a: {  	[sflag:s10] =	ssyncset.done $0x0  }
0x3b: {  	[sflag:s10] =	ssyncadd.s32 $0xFFFFE000  }
0x3c: {  	[hbm4b:s12+s2] =	stream.linear.scatter [tilespmem:s11], [sflag:$0x2], $0x2000, $0x38;
	[tilespmem:$0x4200] =	vst v63  }
0x3d: {  	_ =	swait.ge [sflag:s8], $0x2000  }
0x3e: {  	[sflag:s8] =	ssyncset.done $0x0  }
0x3f: {  	[sflag:s8] =	ssyncadd.s32 $0xFFFFE000  }
0x40: {  	_ =	swait.ge [sflag:s10], $0x2000  }
0x41: {  	[sflag:s10] =	ssyncset.done $0x0  }
0x42: {  	[sflag:s10] =	ssyncadd.s32 $0xFFFFE000  }
0x43: {  	[tilespmem:s7], [sflag:$0x1] =	stream.indirect.gather [hbm4b:s5+s6], $0x40, s13, s6, $0xb8;
	[tilespmem:$0x4200] =	vst v63  }
0x44: {  	_ =	swait.ge [sflag:s8], $0x2000  }
0x45: {  	[sflag:s8] =	ssyncset.done $0x0  }
0x46: {  	[sflag:s8] =	ssyncadd.s32 $0xFFFFE000  }
0x47: {  	[hbm4b:s14+s2] =	stream.linear.scatter [tilespmem:s7], [sflag:$0x1], $0x2000, $0x38;
	[tilespmem:$0x4200] =	vst v63  }
0x48: {  	_ = 	snop  }
0x49: {  	[tilespmem:s11], [sflag:$0x2] =	stream.indirect.gather [hbm4b:s5+s6], $0x40, s15, s6, $0xb8;
	[tilespmem:$0x4200] =	vst v63  }
0x4a: {  	_ =	swait.ge [sflag:s10], $0x2000  }
0x4b: {  	[sflag:s10] =	ssyncset.done $0x0  }
0x4c: {  	[sflag:s10] =	ssyncadd.s32 $0xFFFFE000  }
0x4d: {  	[hbm4b:s16+s2] =	stream.linear.scatter [tilespmem:s11], [sflag:$0x2], $0x2000, $0x38;
	[tilespmem:$0x4200] =	vst v63  }
.Ltmp1:
0x4e: {  	_ =	swait.ge [sflag:s8], $0x2000;
	(pc) =	sbr.rel @p0 .LBB2_1-.Ltmp1, $4  }
0x4f: {  	[sflag:s8] =	ssyncset.done $0x0  }
0x50: {  	[sflag:s8] =	ssyncadd.s32 $0xFFFFE000  }
0x51: {  	_ =	swait.ge [sflag:s10], $0x2000  }
0x52: {  	[sflag:s10] =	ssyncset.done $0x0  }
.LBB2_2:
0x53: {  	[sflag:s10] =	ssyncadd.s32 $0xFFFFE000  }
0x54: {  	_ =	sfence.sel $0x180000  }
0x55: {  	[bflag:$0x0] =	sbarrier.arrive $0xFFFF  }
0x56: {  	p0 =	sne.s32 s0, $0x0;
	_ =	strace $0x9000004A  }
0x57: {  	s0 =	sadd.s32 @!p0 $0x100000, s1;
	[bflag:$0x2] =	sbarrier.arrive $0xFFFF  }
0x58: {  	[sflag:s0] =	ssyncadd.tile.s32 @!p0 $0x1;
	_ =	shalt  }
.Lfunc_end2:
_tile_overlayer_lowered:
.L_overlay_start_2:
0x59: {  	(tag) =	ssettag $0x2  }
0x5a: {  	s0 =	rddreg [dreg:$0x0];
	s2 =	stileid.u32  }
0x5b: {  	s1 =	rddreg [dreg:$0x1];
	p0 =	sne.s32 s2, $0x0  }
0x5c: {  	s3 =	rddreg [dreg:$0x2];
	[bflag:$0x3] =	sbarrier.arrive $0xFFFF;
	s2 =	simm.s32 @!p0 $0x1C03  }
0x5d: {  	[timem:s3], [sflag:s2] =	dma.local @!p0 [hbm:s0], s1  }
0x5e: {  	s0 =	simm.s32 @!p0 $0x3  }
0x5f: {  	_ =	swait.ge @!p0 [sflag:s0], s1  }
0x60: {  	s1 =	ssub.s32 @!p0 $0x0, s1;
	[sflag:s0] =	ssyncset.done @!p0 $0x0  }
0x61: {  	[sflag:s0] =	ssyncadd.s32 @!p0 s1  }
0x62: {  	[bflag:$0x3] =	sbarrier.arrive $0xFFFF  }
0x63: {  	_ =	shalt  }

// kernel: kernel.7.cloned.1.call-start
scs
__scs_entry_jumppad:
0x0: {  	(pc) =	sbr.rel $0x88, $3  }
0x1: {  	(tag) =	ssettag $0x0;
	lr =	simm.s32 $0x1  }
0x2: {  	[smem:$0x3F9B] =	sst lr;
	_ =	strace $0xD0000000  }
0x3: {  	_ = 	snop  }
0x4: {  	_ = 	snop  }
0x5: {  	_ = 	snop  }
0x6: {  	_ = 	snop  }
0x7: {  	_ = 	snop  }
__scs_overlays_trampoline_lowered:
0x8: {  	[smem:$0x3FAA] =	sst s0  }
0x9: {  	[smem:$0x3FAB] =	sst s1  }
0xa: {  	[smem:$0x3FAC] =	sst s2  }
0xb: {  	[smem:$0x3FAD] =	sst s3  }
0xc: {  	[smem:$0x3FAE] =	sst s4  }
0xd: {  	[smem:$0x3FAF] =	sst s5  }
0xe: {  	[smem:$0x3FB0] =	sst s6  }
0xf: {  	[smem:$0x3FB1] =	sst s7  }
0x10: {  	[smem:$0x3FB2] =	sst s8  }
0x11: {  	[smem:$0x3FB3] =	sst s9;
	s0 =	simm.s32 @!p0 $0x0  }
0x12: {  	s1 =	sld [smem:$0x3F99];
	s0 =	simm.s32 @p0 $0x1  }
0x13: {  	[smem:$0x3FB4] =	sst s0;
	s0 =	simm.s32 @!p1 $0x0  }
0x14: {  	s2 =	sld [smem:$0x3F98];
	s0 =	simm.s32 @p1 $0x1  }
0x15: {  	[smem:$0x3FB5] =	sst s0;
	s0 =	simm.s32 @!p2 $0x0  }
0x16: {  	s3 =	sld [smem:$0x3FDB];
	s0 =	simm.s32 @p2 $0x1  }
0x17: {  	s4 =	simm.s32 $0x1BF5;
	[smem:$0x3FB7] =	sst s0  }
0x18: {  	s0 =	sld [smem:$0x3F9A];
	_ =	swait.ge [sflag:s4], $0x0  }
0x19: {  	s7 =	sld [smem:$0x3F9B]  }
0x1a: {  	s8 =	sadd.s32 $0xFFFFE003, lr  }
0x1b: {  	s9 =	sadd.s32 $0xFFFFFEF7, lr;
	s5 =	simm.s32 $0xFFFFFFFF;
	p2 =	slt.u32 s8, $0xFFFFF086  }
0x1c: {  	p1 =	slt.u32 s9, $0xF7A;
	s5 =	simm.s32 @!p2 $0x0  }
0x1d: {  	s5 =	simm.s32 @p1 $0x1;
	p0 =	seq.s32 s7, s2  }
0x1e: {  	s7 =	smul.u32 @!p0 $0xF7A, s2;
	p2 =	seq.s32 @!p0 s5, $0x0  }
0x1f: {  	s9 =	smul.u32 $0xF7A, s1;
	s8 =	simm.s32 @!p0 $0x1BF5;
	p2 =	por !p2, p0  }
0x20: {  	[sflag:s8] =	ssyncset.s32 @!p0 $0xFFFFF086;
	s6 =	sadd.s32 @!p0 s3, s7;
	s7 =	simm.s32 @!p0 $0x108  }
0x21: {  	s3 =	sadd.s32 s3, s9;
	s6 =	sadd.s32 @!p0 $0x88, s6;
	s7 =	simm.s32 @p2 $0x1082  }
0x22: {  	[simem:s7], [sflag:s8] =	dma.local @!p0 [hbm:s6], $0xF7A  }
0x23: {  	s9 =	sor.u32 $0xD0000000, s2;
	s6 =	simm.s32 $0x108;
	_ =	swait.ge @!p0 [sflag:s8], $0x0  }
0x24: {  	s3 =	sadd.s32 $0x88, s3;
	s6 =	simm.s32 @!p1 $0x1082;
	[sflag:s4] =	ssyncset.s32 $0xFFFFF086  }
0x25: {  	[simem:s6], [sflag:s4] =	dma.local [hbm:s3], $0xF7A  }
0x26: {  	[smem:$0x3F9B] =	sst s1;
	(tag) =	ssettag s2;
	_ =	strace s9  }
0x27: {  	s1 =	sld [smem:$0x3FAB]  }
0x28: {  	s2 =	sld [smem:$0x3FAC]  }
0x29: {  	s4 =	sld [smem:$0x3FAE]  }
0x2a: {  	p0 =	seq.s32 s5, $0x0;
	s5 =	sld [smem:$0x3FAF]  }
0x2b: {  	s6 =	sld [smem:$0x3FB0]  }
0x2c: {  	s7 =	sld [smem:$0x3FB1]  }
0x2d: {  	s3 =	simm.s32 $0x108;
	s8 =	sld [smem:$0x3FB2]  }
0x2e: {  	s3 =	simm.s32 @!p0 $0x1082;
	s9 =	sld [smem:$0x3FB3]  }
0x2f: {  	lr =	sadd.s32 s0, s3;
	s0 =	sld [smem:$0x3FAA]  }
0x30: {  	s3 =	sld [smem:$0x3FAD]  }
0x31: {  	[smem:$0x3FB6] =	sst s10  }
0x32: {  	s10 =	sld [smem:$0x3FB4];
	_ =	sdelay $0x3  }
0x33: {  	p0 =	seq.s32 s10, $0x1;
	s10 =	sld [smem:$0x3FB6];
	_ =	sdelay $0x3  }
0x34: {  	[smem:$0x3FB6] =	sst s10  }
0x35: {  	s10 =	sld [smem:$0x3FB5];
	_ =	sdelay $0x3  }
0x36: {  	p1 =	seq.s32 s10, $0x1;
	s10 =	sld [smem:$0x3FB6];
	_ =	sdelay $0x3  }
0x37: {  	[smem:$0x3FB6] =	sst s10  }
0x38: {  	s10 =	sld [smem:$0x3FB7]  }
0x39: {  	_ = 	snop;
	(pc) =	sbr.ind lr, $3  }
0x3a: {  	_ = 	snop  }
0x3b: {  	_ = 	snop  }
0x3c: {  	p2 =	seq.s32 s10, $0x1;
	s10 =	sld [smem:$0x3FB6]  }
0x3d: {  	_ =	shalt  }
0x3e: {  	_ =	shalt  }
0x3f: {  	_ =	shalt  }
0x40: {  	_ =	shalt  }
0x41: {  	_ =	shalt  }
0x42: {  	_ =	shalt  }
0x43: {  	_ =	shalt  }
0x44: {  	_ =	shalt  }
0x45: {  	_ =	shalt  }
0x46: {  	_ =	shalt  }
0x47: {  	_ =	shalt  }
0x48: {  	_ =	shalt  }
0x49: {  	_ =	shalt  }
0x4a: {  	_ =	shalt  }
0x4b: {  	_ =	shalt  }
0x4c: {  	_ =	shalt  }
0x4d: {  	_ =	shalt  }
0x4e: {  	_ =	shalt  }
0x4f: {  	_ =	shalt  }
0x50: {  	_ =	shalt  }
0x51: {  	_ =	shalt  }
0x52: {  	_ =	shalt  }
0x53: {  	_ =	shalt  }
0x54: {  	_ =	shalt  }
0x55: {  	_ =	shalt  }
0x56: {  	_ =	shalt  }
0x57: {  	_ =	shalt  }
0x58: {  	_ =	shalt  }
0x59: {  	_ =	shalt  }
0x5a: {  	_ =	shalt  }
0x5b: {  	_ =	shalt  }
0x5c: {  	_ =	shalt  }
0x5d: {  	_ =	shalt  }
0x5e: {  	_ =	shalt  }
0x5f: {  	_ =	shalt  }
0x60: {  	_ =	shalt  }
0x61: {  	_ =	shalt  }
0x62: {  	_ =	shalt  }
0x63: {  	_ =	shalt  }
0x64: {  	_ =	shalt  }
0x65: {  	_ =	shalt  }
0x66: {  	_ =	shalt  }
0x67: {  	_ =	shalt  }
0x68: {  	_ =	shalt  }
0x69: {  	_ =	shalt  }
0x6a: {  	_ =	shalt  }
0x6b: {  	_ =	shalt  }
0x6c: {  	_ =	shalt  }
0x6d: {  	_ =	shalt  }
0x6e: {  	_ =	shalt  }
0x6f: {  	_ =	shalt  }
0x70: {  	_ =	shalt  }
0x71: {  	_ =	shalt  }
0x72: {  	_ =	shalt  }
0x73: {  	_ =	shalt  }
0x74: {  	_ =	shalt  }
0x75: {  	_ =	shalt  }
0x76: {  	_ =	shalt  }
0x77: {  	_ =	shalt  }
0x78: {  	_ =	shalt  }
0x79: {  	_ =	shalt  }
0x7a: {  	_ =	shalt  }
0x7b: {  	_ =	shalt  }
0x7c: {  	_ =	shalt  }
0x7d: {  	_ =	shalt  }
0x7e: {  	_ =	shalt  }
0x7f: {  	_ =	shalt  }
0x80: {  	_ =	shalt  }
0x81: {  	_ =	shalt  }
0x82: {  	_ =	shalt  }
0x83: {  	_ =	shalt  }
0x84: {  	_ =	shalt  }
0x85: {  	_ =	shalt  }
0x86: {  	_ =	shalt  }
0x87: {  	_ =	shalt  }
.Lfunc_end0:
.L_simem_size_0:
called_computation_lowered:
.L_overlay_start_0:
0x88: {  	s2 =	sld [smem:$0x3FD9]  }
0x89: {  	s3 =	sld [smem:$0x3FFE];
	_ =	sdelay $0x1  }
0x8a: {  	s1 =	srdreg.scid  }
0x8b: {  	s0 =	sand.u32 $0x1, s1  }
0x8c: {  	s16 =	sshll.u32 s0, $0xA;
	s2 =	sadd.s32 s3, s2  }
0x8d: {  	s2 =	sadd.s32 s2, s16  }
0x8e: {  	[smem:$0x3FC2] =	sst s2  }
0x8f: {  	_ = 	snop  }
0x90: {  	(tm) =	ssettm $0x1  }
0x91: {  	s17 =	sld [smem:$0x3FFB];
	_ =	sdelay $0x3  }
0x92: {  	_ =	strace s17  }
0x93: {  	s2 =	sld [smem:$0x3FFC];
	_ =	sdelay $0x3  }
0x94: {  	_ =	strace s2  }
0x95: {  	s2 =	sld [smem:$0x3FFD];
	_ =	sdelay $0x3  }
0x96: {  	_ =	strace s2  }
0x97: {  	_ =	strace $0x8FFFFFFF  }
0x98: {  	s18 =	sld [smem:$0x3FDB];
	_ =	sdelay $0x1  }
0x99: {  	s19 =	simm.s32 $_scs_section_size  }
0x9a: {  	s4 =	simm.s32 $_size__tile_overlayer_lowered;
	s5 =	simm.s32 $_tile_overlayer_lowered  }
0x9b: {  	s22 =	simm.s32 $0x1BFF;
	s21 =	sshll.u32 s5, $0x1;
	s2 =	sadd.s32 s19, s18  }
0x9c: {  	s6 =	simm.s32 $0x0;
	s20 =	sshll.u32 s4, $0x1;
	s4 =	sadd.s32 s21, s2  }
0x9d: {  	[timem:s6], [sflag:s22] =	dma.local [hbm:s4], s20  }
0x9e: {  	_ =	swait.ge [sflag:s22], s20  }
0x9f: {  	s3 =	ssub.s32 $0x0, s20;
	[sflag:s22] =	ssyncset.done $0x0  }
0xa0: {  	[sflag:s22] =	ssyncadd.s32 s3;
	_ =	sdelay $0x1  }
0xa1: {  	s23 =	simm.s32 $0x1B8B  }
0xa2: {  	_ =	swait.ge [sflag:s23], $0x1  }
0xa3: {  	[sflag:s23] =	ssyncset.done $0x0  }
0xa4: {  	s25 =	simm.s32 $0x1B8E;
	s24 =	sld [smem:$0x3FFE];
	[sflag:s23] =	ssyncadd.s32 $0xFFFFFFFF  }
0xa5: {  	s26 =	simm.s32 $execute0_lowered;
	[smem:$0x3FD2] =	sst s25  }
0xa6: {  	s4 =	sshll.u32 s26, $0x1;
	_ =	strace $0x80000046;
	[dreg:$0x1] =	wrdreg $0xFFFFFFFF  }
0xa7: {  	s28 =	simm.s32 $_size_execute0_lowered;
	s2 =	sadd.s32 s2, s4;
	[dreg:$0x0] =	wrdreg $0x0  }
0xa8: {  	s4 =	sshll.u32 s28, $0x1;
	[dreg:$0x2] =	wrdreg s2  }
0xa9: {  	[dreg:$0x3] =	wrdreg s4  }
0xaa: {  	[dreg:$0x4] =	wrdreg $0xC0  }
0xab: {  	_ =	task [dreg:s6], $0x5FFFF  }
0xac: {  	[dreg:$0x1] =	wrdreg $0xFFFFFFFF  }
0xad: {  	[dreg:$0x0] =	wrdreg $0x60  }
0xae: {  	[dreg:$0x2] =	wrdreg s24  }
0xaf: {  	[dreg:$0x3] =	wrdreg $0x9  }
0xb0: {  	_ =	task.clear_ibuf [dreg:s6], $0x4FFFF;
	_ =	strace $0x90000046  }
0xb1: {  	s29 =	simm.s32 $0x9;
	_ =	strace $0x80000048  }
0xb2: {  	_ =	swait.ge [sflag:s29], $0x1  }
0xb3: {  	[sflag:s29] =	ssyncadd.s32 $0xFFFFFFFF  }
0xb4: {  	_ =	strace $0x90000048  }
0xb5: {  	_ =	sfence  }
0xb6: {  	s30 =	sld [smem:$0x0];
	_ =	sdelay $0x2  }
0xb7: {  	s31 =	sshll.u32 s1, $0xD;
	s1 =	sshrl.u32 s1, $0x2  }
0xb8: {  	s3 =	sand.u32 $0x4000, s31;
	s1 =	sadd.s32 s1, s30  }
0xb9: {  	s0 =	sor.u32 s3, s0;
	s1 =	sshll.u32 s1, $0x11  }
0xba: {  	s0 =	sor.u32 s1, s0  }
0xbb: {  	s0 =	sadd.s32 $0x8F2B, s0  }
0xbc: {  	[sflag:s0] =	ssyncadd.remote.s32 $0x1  }
0xbd: {  	_ =	sfence.sel $0xFFFF  }
0xbe: {  	[dreg:$0x0] =	wrdreg $0xFFFFFFFF;
	(pc) =	sbr.abs _section_cstart, $3  }
0xbf: {  	[dreg:$0x1] =	wrdreg $0xFFFFFFFF  }
0xc0: {  	_ =	task.clear_ibuf [dreg:s6], $0x2FFFF;
	_ =	strace $0x9FFFFFFF  }
0xc1: {  	(tm) =	ssettm $0x7FFFFFFF  }
tec
execute0_lowered:
.L_overlay_start_1:
0x0: {  	(tag) =	ssettag $0x1  }
0x1: {  	s1 =	srdreg.scid  }
0x2: {  	s0 =	stileid.u32;
	s4 =	rddreg [dreg:$0x0]  }
0x3: {  	s2 =	simm.s32 $0x0;
	s9 =	simm.s32 $0xC00;
	s10 =	simm.s32 $0x1  }
0x4: {  	s11 =	simm.s32 $0x2C00;
	s12 =	simm.s32 $0x2;
	s13 =	simm.s32 $0x0  }
0x5: {  	s5 =	sand.u32 $0x1, s1;
	s3 =	sshll.u32 s0, $0x1;
	s1 =	rddreg [dreg:$0x1]  }
0x6: {  	[smem:$0x7FF] =	sst s2;
	s7 =	smul.u32 $0xC000, s0;
	s3 =	sor.u32 s5, s3  }
0x7: {  	_ =	strace $0x80000047;
	s8 =	ssub.s32 $0x2, s5;
	s5 =	smul.u32 $0x6000, s5  }
0x8: {  	s6 =	smul.u32 $0x180, s3;
	s7 =	sadd.s32 s7, s4;
	s30 =	sshrl.u32 s8, $0x1  }
0x9: {  	s3 =	sadd.s32 $0x3800, s4;
	s8 =	ssub.s32 s8, s30;
	s31 =	sadd.s32 s5, s7  }
0xa: {  	s7 =	simm.s32 $0x3;
	s6 =	sadd.s32 s6, s4;
	s5 =	smax.u32 s8, $0x1  }
0xb: {  	s8 =	simm.s32 $0x80;
	s4 =	sadd.s32 $0x800, s6;
	s6 =	sadd.s32 $0xC7C00, s31  }
.LBB2_1:
0xc: {  	[tilespmem:s2], [sflag:$0x3] =	stream.linear.gather [hbm4b:s4+s2], $0xC00, $0x38;
	[tilespmem:$0x4C00] =	vst v63  }
0xd: {  	_ =	swait.ge [sflag:s7], $0xC00  }
0xe: {  	[sflag:s7] =	ssyncset.done $0x0  }
0xf: {  	s14 =	simm.s32 $0x0;
	[sflag:s7] =	ssyncadd.s32 $0xFFFFF400  }
0x10: {  	[tilespmem:s9], [sflag:$0x1] =	stream.indirect.gather [hbm4b:s3+s8], $0x40, s14, s8, $0xb8;
	[tilespmem:$0x4C00] =	vst v63  }
0x11: {  	_ =	swait.ge [sflag:s10], $0x2000  }
0x12: {  	[sflag:s10] =	ssyncset.done $0x0  }
0x13: {  	s30 =	sadd.s32 $0xFFFFFC00, s6;
	[sflag:s10] =	ssyncadd.s32 $0xFFFFE000  }
0x14: {  	[hbm4b:s30+s2] =	stream.linear.scatter [tilespmem:s9], [sflag:$0x1], $0x2000, $0x38;
	[tilespmem:$0x4C00] =	vst v63  }
0x15: {  	s31 =	simm.s32 $0x80  }
0x16: {  	[tilespmem:s11], [sflag:$0x2] =	stream.indirect.gather [hbm4b:s3+s8], $0x40, s31, s8, $0xb8;
	[tilespmem:$0x4C00] =	vst v63  }
0x17: {  	_ =	swait.ge [sflag:s12], $0x2000  }
0x18: {  	[sflag:s12] =	ssyncset.done $0x0  }
0x19: {  	[sflag:s12] =	ssyncadd.s32 $0xFFFFE000  }
0x1a: {  	[hbm4b:s6+s2] =	stream.linear.scatter [tilespmem:s11], [sflag:$0x2], $0x2000, $0x38;
	[tilespmem:$0x4C00] =	vst v63  }
0x1b: {  	_ =	swait.ge [sflag:s10], $0x2000  }
0x1c: {  	[sflag:s10] =	ssyncset.done $0x0  }
0x1d: {  	[sflag:s10] =	ssyncadd.s32 $0xFFFFE000  }
0x1e: {  	s15 =	simm.s32 $0x400;
	_ =	swait.ge [sflag:s12], $0x2000  }
0x1f: {  	s16 =	simm.s32 $0x800;
	s14 =	sadd.s32 $0x800, s6;
	[sflag:s12] =	ssyncset.done $0x0  }
.LBB2_2:
0x20: {  	s17 =	sshra.s32 s15, $0x2  }
0x21: {  	[sflag:s12] =	ssyncadd.s32 $0xFFFFE000;
	s15 =	smov.u32 s16;
	s18 =	sadd.s32 $0x400, s16  }
0x22: {  	[tilespmem:s9], [sflag:$0x1] =	stream.indirect.gather [hbm4b:s3+s8], $0x40, s17, s8, $0xb8;
	[tilespmem:$0x4C00] =	vst v63  }
0x23: {  	p0 =	sne.s32 s16, $0x2C00;
	_ =	swait.ge [sflag:s10], $0x2000  }
0x24: {  	[sflag:s10] =	ssyncset.done $0x0  }
0x25: {  	s16 =	sadd.s32 $0xFFFFFC00, s14;
	[sflag:s10] =	ssyncadd.s32 $0xFFFFE000  }
0x26: {  	[hbm4b:s16+s2] =	stream.linear.scatter [tilespmem:s9], [sflag:$0x1], $0x2000, $0x38;
	[tilespmem:$0x4C00] =	vst v63  }
0x27: {  	s16 =	sadd.s32 $0x80, s17  }
0x28: {  	[tilespmem:s11], [sflag:$0x2] =	stream.indirect.gather [hbm4b:s3+s8], $0x40, s16, s8, $0xb8;
	[tilespmem:$0x4C00] =	vst v63  }
0x29: {  	_ =	swait.ge [sflag:s12], $0x2000  }
0x2a: {  	[sflag:s12] =	ssyncset.done $0x0  }
0x2b: {  	[sflag:s12] =	ssyncadd.s32 $0xFFFFE000  }
0x2c: {  	[hbm4b:s14+s2] =	stream.linear.scatter [tilespmem:s11], [sflag:$0x2], $0x2000, $0x38;
	[tilespmem:$0x4C00] =	vst v63  }
.Ltmp0:
0x2d: {  	_ =	swait.ge [sflag:s10], $0x2000;
	(pc) =	sbr.rel @p0 .LBB2_2-.Ltmp0, $4  }
0x2e: {  	[sflag:s10] =	ssyncset.done $0x0  }
0x2f: {  	[sflag:s10] =	ssyncadd.s32 $0xFFFFE000  }
0x30: {  	_ =	swait.ge [sflag:s12], $0x2000  }
0x31: {  	s16 =	smov.u32 s18;
	s14 =	sadd.s32 $0x800, s14;
	[sflag:s12] =	ssyncset.done $0x0  }
0x32: {  	s15 =	sshra.s32 s15, $0x2;
	[sflag:s12] =	ssyncadd.s32 $0xFFFFE000  }
0x33: {  	[tilespmem:s9], [sflag:$0x1] =	stream.indirect.gather [hbm4b:s3+s8], $0x40, s15, s8, $0xb8;
	[tilespmem:$0x4C00] =	vst v63  }
0x34: {  	_ =	swait.ge [sflag:s10], $0x2000  }
0x35: {  	[sflag:s10] =	ssyncset.done $0x0  }
0x36: {  	s16 =	sadd.s32 $0xFFFFFC00, s14;
	[sflag:s10] =	ssyncadd.s32 $0xFFFFE000  }
0x37: {  	[hbm4b:s16+s2] =	stream.linear.scatter [tilespmem:s9], [sflag:$0x1], $0x2000, $0x38;
	[tilespmem:$0x4C00] =	vst v63  }
0x38: {  	s15 =	sadd.s32 $0x80, s15  }
0x39: {  	[tilespmem:s11], [sflag:$0x2] =	stream.indirect.gather [hbm4b:s3+s8], $0x40, s15, s8, $0xb8;
	[tilespmem:$0x4C00] =	vst v63  }
0x3a: {  	_ =	swait.ge [sflag:s12], $0x2000  }
0x3b: {  	[sflag:s12] =	ssyncset.done $0x0  }
0x3c: {  	s13 =	sadd.s32 $0x1, s13;
	[sflag:s12] =	ssyncadd.s32 $0xFFFFE000  }
0x3d: {  	[hbm4b:s14+s2] =	stream.linear.scatter [tilespmem:s11], [sflag:$0x2], $0x2000, $0x38;
	[tilespmem:$0x4C00] =	vst v63  }
0x3e: {  	p0 =	sne.s32 s13, s5;
	_ =	swait.ge [sflag:s10], $0x2000  }
.Ltmp1:
0x3f: {  	[sflag:s10] =	ssyncset.done $0x0;
	(pc) =	sbr.rel @p0 .LBB2_1-.Ltmp1, $4  }
0x40: {  	[sflag:s10] =	ssyncadd.s32 $0xFFFFE000  }
0x41: {  	_ =	swait.ge [sflag:s12], $0x2000  }
0x42: {  	[sflag:s12] =	ssyncset.done $0x0  }
0x43: {  	[sflag:s12] =	ssyncadd.s32 $0xFFFFE000  }
0x44: {  	_ =	sfence.sel $0x180000  }
0x45: {  	[bflag:$0x0] =	sbarrier.arrive $0xFFFF  }
0x46: {  	p0 =	sne.s32 s0, $0x0;
	_ =	strace $0x90000047  }
0x47: {  	s0 =	sadd.s32 @!p0 $0x100000, s1;
	[bflag:$0x2] =	sbarrier.arrive $0xFFFF  }
0x48: {  	[sflag:s0] =	ssyncadd.tile.s32 @!p0 $0x1;
	_ =	shalt  }
.Lfunc_end2:
_tile_overlayer_lowered:
.L_overlay_start_2:
0x49: {  	(tag) =	ssettag $0x2  }
0x4a: {  	s0 =	rddreg [dreg:$0x0];
	s2 =	stileid.u32  }
0x4b: {  	s1 =	rddreg [dreg:$0x1];
	p0 =	sne.s32 s2, $0x0  }
0x4c: {  	s3 =	rddreg [dreg:$0x2];
	[bflag:$0x3] =	sbarrier.arrive $0xFFFF;
	s2 =	simm.s32 @!p0 $0x1C03  }
0x4d: {  	[timem:s3], [sflag:s2] =	dma.local @!p0 [hbm:s0], s1  }
0x4e: {  	s0 =	simm.s32 @!p0 $0x3  }
0x4f: {  	_ =	swait.ge @!p0 [sflag:s0], s1  }
0x50: {  	s1 =	ssub.s32 @!p0 $0x0, s1;
	[sflag:s0] =	ssyncset.done @!p0 $0x0  }
0x51: {  	[sflag:s0] =	ssyncadd.s32 @!p0 s1  }
0x52: {  	[bflag:$0x3] =	sbarrier.arrive $0xFFFF  }
0x53: {  	_ =	shalt  }

</sc_bundles>
